<compile_context>
chip_gen: v7x
topology: tpu7x:2x2x1
jax: 0.10.2.dev20260603
libtpu: 0.0.44.dev20260713+nightly
codegen_flags: <defaults>
</compile_context>

<pallas_src>
import jax
import jax.numpy as jnp
import numpy as np
from jax import lax
from jax.experimental import pallas as pl
from jax.experimental.pallas import tpu as pltpu
from jax.experimental.pallas import tpu_sc as plsc

_B, _L, _D, _H, _KMAX = 2, 2048, 1024, 16, 32
_NROWS = _B * _L
_RA = 1024
_RB = 1024
_NW = 32
_RPW = _NROWS // _NW
_NWORDS = _L // 32

_M_PROJ = (
    (0.8130764, -1.2237617), (-0.3871328, 0.6545847),
    (1.7382764, 0.2871933), (-0.9170771, -1.8237641),
    (0.2948277, 1.1349734), (-1.4862293, 0.4456314),
    (0.6198434, -0.7381172), (1.0737158, 1.6233476),
    (-0.5632871, -0.1987243), (0.9213477, -1.3376218),
    (-1.1098764, 0.8361299), (0.3748293, -0.4472917),
    (1.2987364, 1.0038472), (-0.7364871, 1.4458261),
    (0.1847293, -0.9983174), (-1.6523781, 0.5578213),
)


def _fused_body(q_ref, k_ref, w_ref, mproj_ref, p_ref, words_ref, cnt_ref):
    wtm = lax.dot_general(w_ref[...], mproj_ref[...],
                          (((0,), (0,)), ((), ())),
                          preferred_element_type=jnp.float32)

    def fp2(x):
        xb = (x > 0).astype(jnp.float32)
        return jnp.dot(xb, wtm, preferred_element_type=jnp.float32)

    gk = fp2(k_ref[...].reshape(_L, _D))
    k0 = gk[:, 0].reshape(1, _L)
    k1 = gk[:, 1].reshape(1, _L)
    fq = fp2(q_ref[...].reshape(_L, _D))

    p = p_ref[...]
    for h in range(_L // _RB):
        q0 = fq[h * _RB:(h + 1) * _RB, 0:1]
        q1 = fq[h * _RB:(h + 1) * _RB, 1:2]
        m = (q0 == k0) & (q1 == k1)
        mb = m.astype(jnp.bfloat16)
        acc = jnp.dot(mb, p, preferred_element_type=jnp.float32)
        lo = acc[:, :_NWORDS].astype(jnp.int32)
        hi = acc[:, 128:128 + _NWORDS].astype(jnp.int32)
        words_ref[pl.ds(h * _RB, _RB), :] = lo | (hi << 16)
        cnt_ref[pl.ds(h * (_RB // 128), _RB // 128), :] = (
            acc[:, 256].astype(jnp.int32).reshape(_RB // 128, 128))


def _sc_extract_body(words_hbm, cnt_hbm, out_hbm, cnt_v, words_v, out_v,
                     sem):
    wid = lax.axis_index("c") * 16 + lax.axis_index("s")
    base = wid * _RPW
    cnt_cp = pltpu.async_copy(cnt_hbm.at[pl.ds(base, _RPW)], cnt_v, sem)

    neg1 = jnp.full((16,), -1, jnp.int32)
    lane0 = lax.iota(jnp.int32, 16) < 1

    def init16(i, z):
        out_v[pl.ds(i * 16, 16)] = neg1
        return z

    lax.fori_loop(0, _RPW * _KMAX // 16, init16, 0, unroll=8)
    cnt_cp.wait()

    acc = jnp.zeros((16,), jnp.int32)
    for i in range(_RPW // 16):
        acc = acc | cnt_v[pl.ds(i * 16, 16)]
    tile_has = plsc.all_reduce_population_count(acc != 0)[0]

    @pl.when(tile_has > 0)
    def _():
        pltpu.sync_copy(words_hbm.at[pl.ds(base * _NWORDS, _RPW * _NWORDS)],
                        words_v)
        lanes = lax.iota(jnp.int32, 16)

        def do_row(r, z):
            crow = cnt_v[pl.ds(pl.multiple_of(r & ~15, 16), 16)]
            has = plsc.all_reduce_population_count(
                (crow != 0) & (lanes == (r & 15)))[0]

            @pl.when(has > 0)
            def _():
                rb = r * _NWORDS

                def group(g, got):
                    wv = words_v[pl.ds(pl.multiple_of(rb + g * 16, 16), 16)]
                    gpop = plsc.all_reduce_population_count(wv != 0)[0]

                    def dense(got2):
                        for lane in range(16):
                            word = wv[lane]
                            wbase = (g * 16 + lane) * 32

                            def bit_loop(p, got3, word=word, wbase=wbase):
                                take = ((((word >> p) & 1) > 0)
                                        & (got3 < _KMAX))

                                @pl.when(take)
                                def _():
                                    idx = jnp.full((16,), r * _KMAX + got3,
                                                   jnp.int32)
                                    pos = jnp.full((16,), wbase + p,
                                                   jnp.int32)
                                    plsc.store_scatter(out_v, [idx], pos,
                                                       mask=lane0)

                                return got3 + take.astype(jnp.int32)

                            got2 = lax.cond(
                                word != 0,
                                lambda go, word=word:
                                    lax.fori_loop(0, 32, bit_loop, go),
                                lambda go: go, got2)
                        return got2

                    return lax.cond(gpop > 0, dense, lambda go: go, got)

                lax.fori_loop(0, 4, group, jnp.int32(0))

            return z

        lax.fori_loop(0, _RPW, do_row, 0)

    pltpu.sync_copy(out_v, out_hbm.at[pl.ds(base * _KMAX, _RPW * _KMAX)])


def _build_pack_matrix():
    j = np.arange(_L)
    w = j // 32
    t = j % 32
    col = np.where(t < 16, w, 128 + w)
    val = (1 << (t % 16)).astype(np.float32)
    p = (col[:, None] == np.arange(272)[None, :]) * val[:, None]
    p[:, 256] = 1.0
    return jnp.asarray(p, jnp.bfloat16)


def kernel(query, key, head_idx, W, b):
    del head_idx
    q4 = query.reshape(_B, 2, _RB, _D)
    mproj = jnp.asarray(_M_PROJ, jnp.float32)
    pmat = _build_pack_matrix()

    words, cnt = pl.pallas_call(
        _fused_body,
        grid=(_B,),
        in_specs=[
            pl.BlockSpec((1, _L, _D), lambda bi: (bi, 0, 0)),
            pl.BlockSpec((1, _L, _D), lambda bi: (bi, 0, 0)),
            pl.BlockSpec((_H, _D), lambda bi: (0, 0)),
            pl.BlockSpec((_H, 2), lambda bi: (0, 0)),
            pl.BlockSpec((_L, 272), lambda bi: (0, 0)),
        ],
        out_specs=[
            pl.BlockSpec((_L, _NWORDS), lambda bi: (bi, 0)),
            pl.BlockSpec((_L // 128, 128), lambda bi: (bi, 0)),
        ],
        out_shape=[
            jax.ShapeDtypeStruct((_NROWS, _NWORDS), jnp.int32),
            jax.ShapeDtypeStruct((_NROWS // 128, 128), jnp.int32),
        ],
    )(query, key, W, mproj, pmat)

    out = _sc_first_k(words.reshape(_NROWS * _NWORDS), cnt.reshape(_NROWS))
    return out.reshape(_B, _L, _KMAX)


def _sc_first_k(words_flat, cnt_flat):
    return pl.kernel(
        _sc_extract_body,
        out_type=jax.ShapeDtypeStruct((_NROWS * _KMAX,), jnp.int32),
        mesh=plsc.VectorSubcoreMesh(core_axis_name="c", subcore_axis_name="s",
                                    num_cores=2, num_subcores=16),
        compiler_params=pltpu.CompilerParams(needs_layout_passes=False),
        scratch_types=[
            pltpu.VMEM((_RPW,), jnp.int32),
            pltpu.VMEM((_RPW * _NWORDS,), jnp.int32),
            pltpu.VMEM((_RPW * _KMAX,), jnp.int32),
            pltpu.SemaphoreType.DMA,
        ],
    )(words_flat, cnt_flat)

# --- scband reference (transcript-rebuilt; emitter-appended) ---
"""Pipeline reference for scband-candidate-finder-14877766713592 (READ-ONLY COPY).

The authoritative reference and input builder live on the scoring server;
editing this copy changes nothing except your own understanding.
"""

import jax, jax.numpy as jnp
import numpy as np

B, L, D, H, K_MAX = 2, 2048, 1024, 16, 32


def setup_inputs(seed: int = 0) -> dict:
    key = jax.random.key(seed)
    k1, k2, k3, k4 = jax.random.split(key, 4)
    return {
        "query": jax.random.normal(k1, (B, L, D), dtype=jnp.float32),
        "key": jax.random.normal(k2, (B, L, D), dtype=jnp.float32),
        "head_idx": 0,
        "W": jax.random.normal(k3, (H, D), dtype=jnp.float32) * (1.0 / np.sqrt(D)),
        "b": jax.random.normal(k4, (H,), dtype=jnp.float32) * 0.01,
    }


def reference(query, key, head_idx, W, b):
    Bs, Ls, Ds = query.shape
    # binary_quantize
    q_bin = (query > 0).astype(jnp.float32)
    k_bin = (key > 0).astype(jnp.float32)
    # LSH hash via linear layer of table[head_idx][0]
    q_hash = (q_bin.reshape(Bs * Ls, Ds) @ W.T + b).reshape(Bs, Ls, -1)
    k_hash = (k_bin.reshape(Bs * Ls, Ds) @ W.T + b).reshape(Bs, Ls, -1)
    # all-bits-equal match matrix [B, L, L]
    matches = jnp.all(q_hash[:, :, None, :] == k_hash[:, None, :, :], axis=-1)
    # emulate per-row nonzero -> take first k_max match indices, pad with -1
    idx = jnp.where(matches, jnp.arange(Ls)[None, None, :], Ls)
    sorted_idx = jnp.sort(idx, axis=-1)[:, :, :K_MAX]
    candidates = jnp.where(sorted_idx < Ls, sorted_idx, -1).astype(jnp.int32)
    return candidates

if __name__ == "__main__":
    import jax
    _d = setup_inputs()
    print(jax.jit(kernel)(*tuple(_d.values())))

</pallas_src>

<mosaic_0001>
#map = affine_map<(d0, d1) -> (0)>
module attributes {stable_mosaic.version = 14 : i64} {
  func.func @_sc_extract_body(%arg0: i32, %arg1: i32, %arg2: memref<262144xi32, #tpu.memory_space<hbm>>, %arg3: memref<4096xi32, #tpu.memory_space<hbm>>, %arg4: memref<131072xi32, #tpu.memory_space<hbm>>, %arg5: memref<128xi32, #tpu.memory_space<vmem>>, %arg6: memref<8192xi32, #tpu.memory_space<vmem>>, %arg7: memref<4096xi32, #tpu.memory_space<vmem>>, %arg8: memref<!tpu.dma_semaphore, #tpu.memory_space<semaphore_mem>>) attributes {dimension_semantics = [#tpu.dimension_semantics<core_parallel>, #tpu.dimension_semantics<subcore_parallel>], iteration_bounds = array<i64: 2, 16>, scalar_prefetch = 0 : i64, scratch_operands = 4 : i64, tpu.core_type = #tpu.core_type<sc_vector_subcore>, window_params = [{transform_indices = #map}, {transform_indices = #map}, {transform_indices = #map}]} {
    %mul3A = arith.constant 16 : i32
    %mul3A_0 = arith.muli %arg0, %mul3A : i32
    %add3A = arith.addi %mul3A_0, %arg1 : i32
    %mul3A_1 = arith.constant 128 : i32
    %mul3A_2 = arith.muli %add3A, %mul3A_1 : i32
    %dma_start3A = tpu.memref_slice %arg3[%mul3A_2] : memref<4096xi32, #tpu.memory_space<hbm>> -> memref<128xi32, #tpu.memory_space<hbm>>
    %dma_start3A_3 = tpu.memref_slice %arg3[%mul3A_2] : memref<4096xi32, #tpu.memory_space<hbm>> -> memref<128xi32, #tpu.memory_space<hbm>>
    tpu.enqueue_dma source(%dma_start3A_3 : memref<128xi32, #tpu.memory_space<hbm>>) target(%arg5 : memref<128xi32, #tpu.memory_space<vmem>>) target_semaphore(%arg8 : memref<!tpu.dma_semaphore, #tpu.memory_space<semaphore_mem>>)
    %broadcast_in_dim3A = arith.constant -1 : i32
    %broadcast_in_dim3A_4 = vector.broadcast %broadcast_in_dim3A : i32 to vector<16xi32>
    %iota3A = tpu.iota {dimensions = array<i32: 0>} : vector<16xi32>
    %lt3A = arith.constant 1 : i32
    %lt3A_5 = vector.broadcast %lt3A : i32 to vector<16xi32>
    %lt3A_6 = arith.cmpi slt, %iota3A, %lt3A_5 : vector<16xi32>
    %scan3A = arith.constant 0 : i32
    %scan3A_7 = arith.constant 0 : i32
    %scan3A_8 = arith.constant 256 : i32
    %scan3A_9 = arith.addi %scan3A_7, %scan3A_8 : i32
    %scan3A_10 = arith.constant 8 : i32
    scf.for %scan3A_43 = %scan3A_7 to %scan3A_9 step %scan3A_10  : i32 {
      %mul3A_44 = arith.constant 16 : i32
      %mul3A_45 = arith.muli %scan3A_43, %mul3A_44 : i32
      %swap3A = arith.index_cast %mul3A_45 : i32 to index
      %swap3A_46 = tpu.vector_load %arg7[%swap3A] {strides = array<i32>} : memref<4096xi32, #tpu.memory_space<vmem>>, vector<16xi32>,
      tpu.vector_store %arg7[%swap3A], %broadcast_in_dim3A_4 {strides = array<i32>} : memref<4096xi32, #tpu.memory_space<vmem>>, vector<16xi32>,
      %scan3A_47 = arith.constant 1 : i32
      %scan3A_48 = arith.addi %scan3A_43, %scan3A_47 : i32
      %mul3A_49 = arith.constant 16 : i32
      %mul3A_50 = arith.muli %scan3A_48, %mul3A_49 : i32
      %swap3A_51 = arith.index_cast %mul3A_50 : i32 to index
      %swap3A_52 = tpu.vector_load %arg7[%swap3A_51] {strides = array<i32>} : memref<4096xi32, #tpu.memory_space<vmem>>, vector<16xi32>,
      tpu.vector_store %arg7[%swap3A_51], %broadcast_in_dim3A_4 {strides = array<i32>} : memref<4096xi32, #tpu.memory_space<vmem>>, vector<16xi32>,
      %scan3A_53 = arith.constant 2 : i32
      %scan3A_54 = arith.addi %scan3A_43, %scan3A_53 : i32
      %mul3A_55 = arith.constant 16 : i32
      %mul3A_56 = arith.muli %scan3A_54, %mul3A_55 : i32
      %swap3A_57 = arith.index_cast %mul3A_56 : i32 to index
      %swap3A_58 = tpu.vector_load %arg7[%swap3A_57] {strides = array<i32>} : memref<4096xi32, #tpu.memory_space<vmem>>, vector<16xi32>,
      tpu.vector_store %arg7[%swap3A_57], %broadcast_in_dim3A_4 {strides = array<i32>} : memref<4096xi32, #tpu.memory_space<vmem>>, vector<16xi32>,
      %scan3A_59 = arith.constant 3 : i32
      %scan3A_60 = arith.addi %scan3A_43, %scan3A_59 : i32
      %mul3A_61 = arith.constant 16 : i32
      %mul3A_62 = arith.muli %scan3A_60, %mul3A_61 : i32
      %swap3A_63 = arith.index_cast %mul3A_62 : i32 to index
      %swap3A_64 = tpu.vector_load %arg7[%swap3A_63] {strides = array<i32>} : memref<4096xi32, #tpu.memory_space<vmem>>, vector<16xi32>,
      tpu.vector_store %arg7[%swap3A_63], %broadcast_in_dim3A_4 {strides = array<i32>} : memref<4096xi32, #tpu.memory_space<vmem>>, vector<16xi32>,
      %scan3A_65 = arith.constant 4 : i32
      %scan3A_66 = arith.addi %scan3A_43, %scan3A_65 : i32
      %mul3A_67 = arith.constant 16 : i32
      %mul3A_68 = arith.muli %scan3A_66, %mul3A_67 : i32
      %swap3A_69 = arith.index_cast %mul3A_68 : i32 to index
      %swap3A_70 = tpu.vector_load %arg7[%swap3A_69] {strides = array<i32>} : memref<4096xi32, #tpu.memory_space<vmem>>, vector<16xi32>,
      tpu.vector_store %arg7[%swap3A_69], %broadcast_in_dim3A_4 {strides = array<i32>} : memref<4096xi32, #tpu.memory_space<vmem>>, vector<16xi32>,
      %scan3A_71 = arith.constant 5 : i32
      %scan3A_72 = arith.addi %scan3A_43, %scan3A_71 : i32
      %mul3A_73 = arith.constant 16 : i32
      %mul3A_74 = arith.muli %scan3A_72, %mul3A_73 : i32
      %swap3A_75 = arith.index_cast %mul3A_74 : i32 to index
      %swap3A_76 = tpu.vector_load %arg7[%swap3A_75] {strides = array<i32>} : memref<4096xi32, #tpu.memory_space<vmem>>, vector<16xi32>,
      tpu.vector_store %arg7[%swap3A_75], %broadcast_in_dim3A_4 {strides = array<i32>} : memref<4096xi32, #tpu.memory_space<vmem>>, vector<16xi32>,
      %scan3A_77 = arith.constant 6 : i32
      %scan3A_78 = arith.addi %scan3A_43, %scan3A_77 : i32
      %mul3A_79 = arith.constant 16 : i32
      %mul3A_80 = arith.muli %scan3A_78, %mul3A_79 : i32
      %swap3A_81 = arith.index_cast %mul3A_80 : i32 to index
      %swap3A_82 = tpu.vector_load %arg7[%swap3A_81] {strides = array<i32>} : memref<4096xi32, #tpu.memory_space<vmem>>, vector<16xi32>,
      tpu.vector_store %arg7[%swap3A_81], %broadcast_in_dim3A_4 {strides = array<i32>} : memref<4096xi32, #tpu.memory_space<vmem>>, vector<16xi32>,
      %scan3A_83 = arith.constant 7 : i32
      %scan3A_84 = arith.addi %scan3A_43, %scan3A_83 : i32
      %mul3A_85 = arith.constant 16 : i32
      %mul3A_86 = arith.muli %scan3A_84, %mul3A_85 : i32
      %swap3A_87 = arith.index_cast %mul3A_86 : i32 to index
      %swap3A_88 = tpu.vector_load %arg7[%swap3A_87] {strides = array<i32>} : memref<4096xi32, #tpu.memory_space<vmem>>, vector<16xi32>,
      tpu.vector_store %arg7[%swap3A_87], %broadcast_in_dim3A_4 {strides = array<i32>} : memref<4096xi32, #tpu.memory_space<vmem>>, vector<16xi32>,
    }
    %scan3A_11 = arith.constant 256 : i32
    %dma_wait3A = tpu.memref_slice %arg3[%mul3A_2] : memref<4096xi32, #tpu.memory_space<hbm>> -> memref<128xi32, #tpu.memory_space<hbm>>
    %dma_wait3A_12 = tpu.memref_slice %arg3[%mul3A_2] : memref<4096xi32, #tpu.memory_space<hbm>> -> memref<128xi32, #tpu.memory_space<hbm>>
    tpu.wait_dma2 semaphore(%arg8 : memref<!tpu.dma_semaphore, #tpu.memory_space<semaphore_mem>>) src(%dma_wait3A_12 : memref<128xi32, #tpu.memory_space<hbm>>) dst(%arg5 : memref<128xi32, #tpu.memory_space<vmem>>)
    %broadcast_in_dim3A_13 = arith.constant 0 : i32
    %broadcast_in_dim3A_14 = vector.broadcast %broadcast_in_dim3A_13 : i32 to vector<16xi32>
    %get3A = arith.constant 0 : index
    %get3A_15 = tpu.vector_load %arg5[%get3A] {strides = array<i32>} : memref<128xi32, #tpu.memory_space<vmem>>, vector<16xi32>,
    %or3A = arith.ori %broadcast_in_dim3A_14, %get3A_15 : vector<16xi32>
    %get3A_16 = arith.constant 16 : index
    %get3A_17 = tpu.vector_load %arg5[%get3A_16] {strides = array<i32>} : memref<128xi32, #tpu.memory_space<vmem>>, vector<16xi32>,
    %or3A_18 = arith.ori %or3A, %get3A_17 : vector<16xi32>
    %get3A_19 = arith.constant 32 : index
    %get3A_20 = tpu.vector_load %arg5[%get3A_19] {strides = array<i32>} : memref<128xi32, #tpu.memory_space<vmem>>, vector<16xi32>,
    %or3A_21 = arith.ori %or3A_18, %get3A_20 : vector<16xi32>
    %get3A_22 = arith.constant 48 : index
    %get3A_23 = tpu.vector_load %arg5[%get3A_22] {strides = array<i32>} : memref<128xi32, #tpu.memory_space<vmem>>, vector<16xi32>,
    %or3A_24 = arith.ori %or3A_21, %get3A_23 : vector<16xi32>
    %get3A_25 = arith.constant 64 : index
    %get3A_26 = tpu.vector_load %arg5[%get3A_25] {strides = array<i32>} : memref<128xi32, #tpu.memory_space<vmem>>, vector<16xi32>,
    %or3A_27 = arith.ori %or3A_24, %get3A_26 : vector<16xi32>
    %get3A_28 = arith.constant 80 : index
    %get3A_29 = tpu.vector_load %arg5[%get3A_28] {strides = array<i32>} : memref<128xi32, #tpu.memory_space<vmem>>, vector<16xi32>,
    %or3A_30 = arith.ori %or3A_27, %get3A_29 : vector<16xi32>
    %get3A_31 = arith.constant 96 : index
    %get3A_32 = tpu.vector_load %arg5[%get3A_31] {strides = array<i32>} : memref<128xi32, #tpu.memory_space<vmem>>, vector<16xi32>,
    %or3A_33 = arith.ori %or3A_30, %get3A_32 : vector<16xi32>
    %get3A_34 = arith.constant 112 : index
    %get3A_35 = tpu.vector_load %arg5[%get3A_34] {strides = array<i32>} : memref<128xi32, #tpu.memory_space<vmem>>, vector<16xi32>,
    %or3A_36 = arith.ori %or3A_33, %get3A_35 : vector<16xi32>
    %ne3A = arith.constant 0 : i32
    %ne3A_37 = vector.broadcast %ne3A : i32 to vector<16xi32>
    %ne3A_38 = arith.cmpi ne, %or3A_36, %ne3A_37 : vector<16xi32>
    %all_reduce_population_count3A = tpu.all_reduce %ne3A_38 {dim = 0 : i64, kind = #tpu.reduction_kind<sum>} : vector<16xi1> -> vector<16xi32>
    %slice3A = vector.extract_strided_slice %all_reduce_population_count3A {offsets = [0], sizes = [1], strides = [1]} : vector<16xi32> to vector<1xi32>
    %squeeze3A = vector.extract %slice3A[0] : i32 from vector<1xi32>
    %gt3A = arith.constant 0 : i32
    %gt3A_39 = arith.cmpi sgt, %squeeze3A, %gt3A : i32
    %convert_element_type3A = arith.extui %gt3A_39 : i1 to i32
    %cond3A = arith.constant 0 : i32
    %cond3A_40 = arith.cmpi ne, %convert_element_type3A, %cond3A : i32
    scf.if %cond3A_40 {
      %mul3A_43 = arith.constant 64 : i32
      %mul3A_44 = arith.muli %mul3A_2, %mul3A_43 : i32
      "tpu.region"() ({
        %run_scoped3A = tpu.sem_alloc : memref<!tpu.dma_semaphore, #tpu.memory_space<semaphore_mem>>
        %dma_start3A_52 = tpu.memref_slice %arg2[%mul3A_44] : memref<262144xi32, #tpu.memory_space<hbm>> -> memref<8192xi32, #tpu.memory_space<hbm>>
        %dma_start3A_53 = tpu.memref_slice %arg2[%mul3A_44] : memref<262144xi32, #tpu.memory_space<hbm>> -> memref<8192xi32, #tpu.memory_space<hbm>>
        tpu.enqueue_dma source(%dma_start3A_53 : memref<8192xi32, #tpu.memory_space<hbm>>) target(%arg6 : memref<8192xi32, #tpu.memory_space<vmem>>) target_semaphore(%run_scoped3A : memref<!tpu.dma_semaphore, #tpu.memory_space<semaphore_mem>>)
        %dma_wait3A_54 = tpu.memref_slice %arg2[%mul3A_44] : memref<262144xi32, #tpu.memory_space<hbm>> -> memref<8192xi32, #tpu.memory_space<hbm>>
        %dma_wait3A_55 = tpu.memref_slice %arg2[%mul3A_44] : memref<262144xi32, #tpu.memory_space<hbm>> -> memref<8192xi32, #tpu.memory_space<hbm>>
        tpu.wait_dma2 semaphore(%run_scoped3A : memref<!tpu.dma_semaphore, #tpu.memory_space<semaphore_mem>>) src(%dma_wait3A_55 : memref<8192xi32, #tpu.memory_space<hbm>>) dst(%arg6 : memref<8192xi32, #tpu.memory_space<vmem>>)
        tpu.yield
      }) : () -> ()
      %iota3A_45 = tpu.iota {dimensions = array<i32: 0>} : vector<16xi32>
      %scan3A_46 = arith.constant 0 : i32
      %scan3A_47 = arith.constant 0 : i32
      %scan3A_48 = arith.constant 128 : i32
      %scan3A_49 = arith.addi %scan3A_47, %scan3A_48 : i32
      %scan3A_50 = arith.constant 1 : i32
      scf.for %scan3A_52 = %scan3A_47 to %scan3A_49 step %scan3A_50  : i32 {
        %and3A = arith.constant -16 : i32
        %and3A_53 = arith.andi %scan3A_52, %and3A : i32
        %multiple_of3A = tpu.assume_multiple %and3A_53, 16 : i32
        %get3A_54 = arith.index_cast %multiple_of3A : i32 to index
        %get3A_55 = tpu.vector_load %arg5[%get3A_54] {strides = array<i32>} : memref<128xi32, #tpu.memory_space<vmem>>, vector<16xi32>,
        %ne3A_56 = arith.constant 0 : i32
        %ne3A_57 = vector.broadcast %ne3A_56 : i32 to vector<16xi32>
        %ne3A_58 = arith.cmpi ne, %get3A_55, %ne3A_57 : vector<16xi32>
        %and3A_59 = arith.constant 15 : i32
        %and3A_60 = arith.andi %scan3A_52, %and3A_59 : i32
        %eq3A = vector.broadcast %and3A_60 : i32 to vector<16xi32>
        %eq3A_61 = arith.cmpi eq, %iota3A_45, %eq3A : vector<16xi32>
        %and3A_62 = arith.andi %ne3A_58, %eq3A_61 : vector<16xi1>
        %all_reduce_population_count3A_63 = tpu.all_reduce %and3A_62 {dim = 0 : i64, kind = #tpu.reduction_kind<sum>} : vector<16xi1> -> vector<16xi32>
        %slice3A_64 = vector.extract_strided_slice %all_reduce_population_count3A_63 {offsets = [0], sizes = [1], strides = [1]} : vector<16xi32> to vector<1xi32>
        %squeeze3A_65 = vector.extract %slice3A_64[0] : i32 from vector<1xi32>
        %gt3A_66 = arith.constant 0 : i32
        %gt3A_67 = arith.cmpi sgt, %squeeze3A_65, %gt3A_66 : i32
        %convert_element_type3A_68 = arith.extui %gt3A_67 : i1 to i32
        %cond3A_69 = arith.constant 0 : i32
        %cond3A_70 = arith.cmpi ne, %convert_element_type3A_68, %cond3A_69 : i32
        scf.if %cond3A_70 {
          %mul3A_71 = arith.constant 64 : i32
          %mul3A_72 = arith.muli %scan3A_52, %mul3A_71 : i32
          %scan3A_73 = arith.constant 0 : i32
          %scan3A_74 = arith.constant 0 : i32
          %scan3A_75 = arith.constant 4 : i32
          %scan3A_76 = arith.addi %scan3A_74, %scan3A_75 : i32
          %scan3A_77 = arith.constant 1 : i32
          %scan3A_78 = scf.for %scan3A_80 = %scan3A_74 to %scan3A_76 step %scan3A_77 iter_args(%scan3A_81 = %scan3A_73) -> (i32)  : i32 {
            %mul3A_82 = arith.constant 16 : i32
            %mul3A_83 = arith.muli %scan3A_80, %mul3A_82 : i32
            %add3A_84 = arith.addi %mul3A_72, %mul3A_83 : i32
            %multiple_of3A_85 = tpu.assume_multiple %add3A_84, 16 : i32
            %get3A_86 = arith.index_cast %multiple_of3A_85 : i32 to index
            %get3A_87 = tpu.vector_load %arg6[%get3A_86] {strides = array<i32>} : memref<8192xi32, #tpu.memory_space<vmem>>, vector<16xi32>,
            %ne3A_88 = arith.constant 0 : i32
            %ne3A_89 = vector.broadcast %ne3A_88 : i32 to vector<16xi32>
            %ne3A_90 = arith.cmpi ne, %get3A_87, %ne3A_89 : vector<16xi32>
            %all_reduce_population_count3A_91 = tpu.all_reduce %ne3A_90 {dim = 0 : i64, kind = #tpu.reduction_kind<sum>} : vector<16xi1> -> vector<16xi32>
            %slice3A_92 = vector.extract_strided_slice %all_reduce_population_count3A_91 {offsets = [0], sizes = [1], strides = [1]} : vector<16xi32> to vector<1xi32>
            %squeeze3A_93 = vector.extract %slice3A_92[0] : i32 from vector<1xi32>
            %gt3A_94 = arith.constant 0 : i32
            %gt3A_95 = arith.cmpi sgt, %squeeze3A_93, %gt3A_94 : i32
            %convert_element_type3A_96 = arith.extui %gt3A_95 : i1 to i32
            %cond3A_97 = arith.constant 0 : i32
            %cond3A_98 = arith.cmpi ne, %convert_element_type3A_96, %cond3A_97 : i32
            %cond3A_99 = scf.if %cond3A_98 -> (i32) {
              %slice3A_100 = vector.extract_strided_slice %get3A_87 {offsets = [0], sizes = [1], strides = [1]} : vector<16xi32> to vector<1xi32>
              %squeeze3A_101 = vector.extract %slice3A_100[0] : i32 from vector<1xi32>
              %mul3A_102 = arith.constant 16 : i32
              %mul3A_103 = arith.muli %scan3A_80, %mul3A_102 : i32
              %add3A_104 = arith.constant 0 : i32
              %add3A_105 = arith.addi %mul3A_103, %add3A_104 : i32
              %mul3A_106 = arith.constant 32 : i32
              %mul3A_107 = arith.muli %add3A_105, %mul3A_106 : i32
              %ne3A_108 = arith.constant 0 : i32
              %ne3A_109 = arith.cmpi ne, %squeeze3A_101, %ne3A_108 : i32
              %convert_element_type3A_110 = arith.extui %ne3A_109 : i1 to i32
              %cond3A_111 = arith.constant 0 : i32
              %cond3A_112 = arith.cmpi ne, %convert_element_type3A_110, %cond3A_111 : i32
              %cond3A_113 = scf.if %cond3A_112 -> (i32) {
                %scan3A_324 = arith.constant 0 : i32
                %scan3A_325 = arith.constant 32 : i32
                %scan3A_326 = arith.addi %scan3A_324, %scan3A_325 : i32
                %scan3A_327 = arith.constant 1 : i32
                %scan3A_328 = scf.for %scan3A_330 = %scan3A_324 to %scan3A_326 step %scan3A_327 iter_args(%scan3A_331 = %scan3A_81) -> (i32)  : i32 {
                  %shift_right_arithmetic3A = arith.shrsi %squeeze3A_101, %scan3A_330 : i32
                  %and3A_332 = arith.constant 1 : i32
                  %and3A_333 = arith.andi %shift_right_arithmetic3A, %and3A_332 : i32
                  %gt3A_334 = arith.constant 0 : i32
                  %gt3A_335 = arith.cmpi sgt, %and3A_333, %gt3A_334 : i32
                  %lt3A_336 = arith.constant 32 : i32
                  %lt3A_337 = arith.cmpi slt, %scan3A_331, %lt3A_336 : i32
                  %and3A_338 = arith.andi %gt3A_335, %lt3A_337 : i1
                  %convert_element_type3A_339 = arith.extui %and3A_338 : i1 to i32
                  %cond3A_340 = arith.constant 0 : i32
                  %cond3A_341 = arith.cmpi ne, %convert_element_type3A_339, %cond3A_340 : i32
                  scf.if %cond3A_341 {
                    %mul3A_344 = arith.constant 32 : i32
                    %mul3A_345 = arith.muli %scan3A_52, %mul3A_344 : i32
                    %add3A_346 = arith.addi %mul3A_345, %scan3A_331 : i32
                    %broadcast_in_dim3A_347 = vector.broadcast %add3A_346 : i32 to vector<16xi32>
                    %add3A_348 = arith.addi %mul3A_107, %scan3A_330 : i32
                    %broadcast_in_dim3A_349 = vector.broadcast %add3A_348 : i32 to vector<16xi32>
                    tpu.vector_store_idx %arg7[%broadcast_in_dim3A_347], %broadcast_in_dim3A_349 masked %lt3A_6 : memref<4096xi32, #tpu.memory_space<vmem>>[vector<16xi32>], vector<16xi32>, vector<16xi1>
                  } else {
                  }
                  %convert_element_type3A_342 = arith.extui %and3A_338 : i1 to i32
                  %add3A_343 = arith.addi %scan3A_331, %convert_element_type3A_342 : i32
                  scf.yield %add3A_343 : i32
                }
                %scan3A_329 = arith.constant 32 : i32
                scf.yield %scan3A_328 : i32
              } else {
                scf.yield %scan3A_81 : i32
              }
              %slice3A_114 = vector.extract_strided_slice %get3A_87 {offsets = [1], sizes = [1], strides = [1]} : vector<16xi32> to vector<1xi32>
              %squeeze3A_115 = vector.extract %slice3A_114[0] : i32 from vector<1xi32>
              %mul3A_116 = arith.constant 16 : i32
              %mul3A_117 = arith.muli %scan3A_80, %mul3A_116 : i32
              %add3A_118 = arith.constant 1 : i32
              %add3A_119 = arith.addi %mul3A_117, %add3A_118 : i32
              %mul3A_120 = arith.constant 32 : i32
              %mul3A_121 = arith.muli %add3A_119, %mul3A_120 : i32
              %ne3A_122 = arith.constant 0 : i32
              %ne3A_123 = arith.cmpi ne, %squeeze3A_115, %ne3A_122 : i32
              %convert_element_type3A_124 = arith.extui %ne3A_123 : i1 to i32
              %cond3A_125 = arith.constant 0 : i32
              %cond3A_126 = arith.cmpi ne, %convert_element_type3A_124, %cond3A_125 : i32
              %cond3A_127 = scf.if %cond3A_126 -> (i32) {
                %scan3A_324 = arith.constant 0 : i32
                %scan3A_325 = arith.constant 32 : i32
                %scan3A_326 = arith.addi %scan3A_324, %scan3A_325 : i32
                %scan3A_327 = arith.constant 1 : i32
                %scan3A_328 = scf.for %scan3A_330 = %scan3A_324 to %scan3A_326 step %scan3A_327 iter_args(%scan3A_331 = %cond3A_113) -> (i32)  : i32 {
                  %shift_right_arithmetic3A = arith.shrsi %squeeze3A_115, %scan3A_330 : i32
                  %and3A_332 = arith.constant 1 : i32
                  %and3A_333 = arith.andi %shift_right_arithmetic3A, %and3A_332 : i32
                  %gt3A_334 = arith.constant 0 : i32
                  %gt3A_335 = arith.cmpi sgt, %and3A_333, %gt3A_334 : i32
                  %lt3A_336 = arith.constant 32 : i32
                  %lt3A_337 = arith.cmpi slt, %scan3A_331, %lt3A_336 : i32
                  %and3A_338 = arith.andi %gt3A_335, %lt3A_337 : i1
                  %convert_element_type3A_339 = arith.extui %and3A_338 : i1 to i32
                  %cond3A_340 = arith.constant 0 : i32
                  %cond3A_341 = arith.cmpi ne, %convert_element_type3A_339, %cond3A_340 : i32
                  scf.if %cond3A_341 {
                    %mul3A_344 = arith.constant 32 : i32
                    %mul3A_345 = arith.muli %scan3A_52, %mul3A_344 : i32
                    %add3A_346 = arith.addi %mul3A_345, %scan3A_331 : i32
                    %broadcast_in_dim3A_347 = vector.broadcast %add3A_346 : i32 to vector<16xi32>
                    %add3A_348 = arith.addi %mul3A_121, %scan3A_330 : i32
                    %broadcast_in_dim3A_349 = vector.broadcast %add3A_348 : i32 to vector<16xi32>
                    tpu.vector_store_idx %arg7[%broadcast_in_dim3A_347], %broadcast_in_dim3A_349 masked %lt3A_6 : memref<4096xi32, #tpu.memory_space<vmem>>[vector<16xi32>], vector<16xi32>, vector<16xi1>
                  } else {
                  }
                  %convert_element_type3A_342 = arith.extui %and3A_338 : i1 to i32
                  %add3A_343 = arith.addi %scan3A_331, %convert_element_type3A_342 : i32
                  scf.yield %add3A_343 : i32
                }
                %scan3A_329 = arith.constant 32 : i32
                scf.yield %scan3A_328 : i32
              } else {
                scf.yield %cond3A_113 : i32
              }
              %slice3A_128 = vector.extract_strided_slice %get3A_87 {offsets = [2], sizes = [1], strides = [1]} : vector<16xi32> to vector<1xi32>
              %squeeze3A_129 = vector.extract %slice3A_128[0] : i32 from vector<1xi32>
              %mul3A_130 = arith.constant 16 : i32
              %mul3A_131 = arith.muli %scan3A_80, %mul3A_130 : i32
              %add3A_132 = arith.constant 2 : i32
              %add3A_133 = arith.addi %mul3A_131, %add3A_132 : i32
              %mul3A_134 = arith.constant 32 : i32
              %mul3A_135 = arith.muli %add3A_133, %mul3A_134 : i32
              %ne3A_136 = arith.constant 0 : i32
              %ne3A_137 = arith.cmpi ne, %squeeze3A_129, %ne3A_136 : i32
              %convert_element_type3A_138 = arith.extui %ne3A_137 : i1 to i32
              %cond3A_139 = arith.constant 0 : i32
              %cond3A_140 = arith.cmpi ne, %convert_element_type3A_138, %cond3A_139 : i32
              %cond3A_141 = scf.if %cond3A_140 -> (i32) {
                %scan3A_324 = arith.constant 0 : i32
                %scan3A_325 = arith.constant 32 : i32
                %scan3A_326 = arith.addi %scan3A_324, %scan3A_325 : i32
                %scan3A_327 = arith.constant 1 : i32
                %scan3A_328 = scf.for %scan3A_330 = %scan3A_324 to %scan3A_326 step %scan3A_327 iter_args(%scan3A_331 = %cond3A_127) -> (i32)  : i32 {
                  %shift_right_arithmetic3A = arith.shrsi %squeeze3A_129, %scan3A_330 : i32
                  %and3A_332 = arith.constant 1 : i32
                  %and3A_333 = arith.andi %shift_right_arithmetic3A, %and3A_332 : i32
                  %gt3A_334 = arith.constant 0 : i32
                  %gt3A_335 = arith.cmpi sgt, %and3A_333, %gt3A_334 : i32
                  %lt3A_336 = arith.constant 32 : i32
                  %lt3A_337 = arith.cmpi slt, %scan3A_331, %lt3A_336 : i32
                  %and3A_338 = arith.andi %gt3A_335, %lt3A_337 : i1
                  %convert_element_type3A_339 = arith.extui %and3A_338 : i1 to i32
                  %cond3A_340 = arith.constant 0 : i32
                  %cond3A_341 = arith.cmpi ne, %convert_element_type3A_339, %cond3A_340 : i32
                  scf.if %cond3A_341 {
                    %mul3A_344 = arith.constant 32 : i32
                    %mul3A_345 = arith.muli %scan3A_52, %mul3A_344 : i32
                    %add3A_346 = arith.addi %mul3A_345, %scan3A_331 : i32
                    %broadcast_in_dim3A_347 = vector.broadcast %add3A_346 : i32 to vector<16xi32>
                    %add3A_348 = arith.addi %mul3A_135, %scan3A_330 : i32
                    %broadcast_in_dim3A_349 = vector.broadcast %add3A_348 : i32 to vector<16xi32>
                    tpu.vector_store_idx %arg7[%broadcast_in_dim3A_347], %broadcast_in_dim3A_349 masked %lt3A_6 : memref<4096xi32, #tpu.memory_space<vmem>>[vector<16xi32>], vector<16xi32>, vector<16xi1>
                  } else {
                  }
                  %convert_element_type3A_342 = arith.extui %and3A_338 : i1 to i32
                  %add3A_343 = arith.addi %scan3A_331, %convert_element_type3A_342 : i32
                  scf.yield %add3A_343 : i32
                }
                %scan3A_329 = arith.constant 32 : i32
                scf.yield %scan3A_328 : i32
              } else {
                scf.yield %cond3A_127 : i32
              }
              %slice3A_142 = vector.extract_strided_slice %get3A_87 {offsets = [3], sizes = [1], strides = [1]} : vector<16xi32> to vector<1xi32>
              %squeeze3A_143 = vector.extract %slice3A_142[0] : i32 from vector<1xi32>
              %mul3A_144 = arith.constant 16 : i32
              %mul3A_145 = arith.muli %scan3A_80, %mul3A_144 : i32
              %add3A_146 = arith.constant 3 : i32
              %add3A_147 = arith.addi %mul3A_145, %add3A_146 : i32
              %mul3A_148 = arith.constant 32 : i32
              %mul3A_149 = arith.muli %add3A_147, %mul3A_148 : i32
              %ne3A_150 = arith.constant 0 : i32
              %ne3A_151 = arith.cmpi ne, %squeeze3A_143, %ne3A_150 : i32
              %convert_element_type3A_152 = arith.extui %ne3A_151 : i1 to i32
              %cond3A_153 = arith.constant 0 : i32
              %cond3A_154 = arith.cmpi ne, %convert_element_type3A_152, %cond3A_153 : i32
              %cond3A_155 = scf.if %cond3A_154 -> (i32) {
                %scan3A_324 = arith.constant 0 : i32
                %scan3A_325 = arith.constant 32 : i32
                %scan3A_326 = arith.addi %scan3A_324, %scan3A_325 : i32
                %scan3A_327 = arith.constant 1 : i32
                %scan3A_328 = scf.for %scan3A_330 = %scan3A_324 to %scan3A_326 step %scan3A_327 iter_args(%scan3A_331 = %cond3A_141) -> (i32)  : i32 {
                  %shift_right_arithmetic3A = arith.shrsi %squeeze3A_143, %scan3A_330 : i32
                  %and3A_332 = arith.constant 1 : i32
                  %and3A_333 = arith.andi %shift_right_arithmetic3A, %and3A_332 : i32
                  %gt3A_334 = arith.constant 0 : i32
                  %gt3A_335 = arith.cmpi sgt, %and3A_333, %gt3A_334 : i32
                  %lt3A_336 = arith.constant 32 : i32
                  %lt3A_337 = arith.cmpi slt, %scan3A_331, %lt3A_336 : i32
                  %and3A_338 = arith.andi %gt3A_335, %lt3A_337 : i1
                  %convert_element_type3A_339 = arith.extui %and3A_338 : i1 to i32
                  %cond3A_340 = arith.constant 0 : i32
                  %cond3A_341 = arith.cmpi ne, %convert_element_type3A_339, %cond3A_340 : i32
                  scf.if %cond3A_341 {
                    %mul3A_344 = arith.constant 32 : i32
                    %mul3A_345 = arith.muli %scan3A_52, %mul3A_344 : i32
                    %add3A_346 = arith.addi %mul3A_345, %scan3A_331 : i32
                    %broadcast_in_dim3A_347 = vector.broadcast %add3A_346 : i32 to vector<16xi32>
                    %add3A_348 = arith.addi %mul3A_149, %scan3A_330 : i32
                    %broadcast_in_dim3A_349 = vector.broadcast %add3A_348 : i32 to vector<16xi32>
                    tpu.vector_store_idx %arg7[%broadcast_in_dim3A_347], %broadcast_in_dim3A_349 masked %lt3A_6 : memref<4096xi32, #tpu.memory_space<vmem>>[vector<16xi32>], vector<16xi32>, vector<16xi1>
                  } else {
                  }
                  %convert_element_type3A_342 = arith.extui %and3A_338 : i1 to i32
                  %add3A_343 = arith.addi %scan3A_331, %convert_element_type3A_342 : i32
                  scf.yield %add3A_343 : i32
                }
                %scan3A_329 = arith.constant 32 : i32
                scf.yield %scan3A_328 : i32
              } else {
                scf.yield %cond3A_141 : i32
              }
              %slice3A_156 = vector.extract_strided_slice %get3A_87 {offsets = [4], sizes = [1], strides = [1]} : vector<16xi32> to vector<1xi32>
              %squeeze3A_157 = vector.extract %slice3A_156[0] : i32 from vector<1xi32>
              %mul3A_158 = arith.constant 16 : i32
              %mul3A_159 = arith.muli %scan3A_80, %mul3A_158 : i32
              %add3A_160 = arith.constant 4 : i32
              %add3A_161 = arith.addi %mul3A_159, %add3A_160 : i32
              %mul3A_162 = arith.constant 32 : i32
              %mul3A_163 = arith.muli %add3A_161, %mul3A_162 : i32
              %ne3A_164 = arith.constant 0 : i32
              %ne3A_165 = arith.cmpi ne, %squeeze3A_157, %ne3A_164 : i32
              %convert_element_type3A_166 = arith.extui %ne3A_165 : i1 to i32
              %cond3A_167 = arith.constant 0 : i32
              %cond3A_168 = arith.cmpi ne, %convert_element_type3A_166, %cond3A_167 : i32
              %cond3A_169 = scf.if %cond3A_168 -> (i32) {
                %scan3A_324 = arith.constant 0 : i32
                %scan3A_325 = arith.constant 32 : i32
                %scan3A_326 = arith.addi %scan3A_324, %scan3A_325 : i32
                %scan3A_327 = arith.constant 1 : i32
                %scan3A_328 = scf.for %scan3A_330 = %scan3A_324 to %scan3A_326 step %scan3A_327 iter_args(%scan3A_331 = %cond3A_155) -> (i32)  : i32 {
                  %shift_right_arithmetic3A = arith.shrsi %squeeze3A_157, %scan3A_330 : i32
                  %and3A_332 = arith.constant 1 : i32
                  %and3A_333 = arith.andi %shift_right_arithmetic3A, %and3A_332 : i32
                  %gt3A_334 = arith.constant 0 : i32
                  %gt3A_335 = arith.cmpi sgt, %and3A_333, %gt3A_334 : i32
                  %lt3A_336 = arith.constant 32 : i32
                  %lt3A_337 = arith.cmpi slt, %scan3A_331, %lt3A_336 : i32
                  %and3A_338 = arith.andi %gt3A_335, %lt3A_337 : i1
                  %convert_element_type3A_339 = arith.extui %and3A_338 : i1 to i32
                  %cond3A_340 = arith.constant 0 : i32
                  %cond3A_341 = arith.cmpi ne, %convert_element_type3A_339, %cond3A_340 : i32
                  scf.if %cond3A_341 {
                    %mul3A_344 = arith.constant 32 : i32
                    %mul3A_345 = arith.muli %scan3A_52, %mul3A_344 : i32
                    %add3A_346 = arith.addi %mul3A_345, %scan3A_331 : i32
                    %broadcast_in_dim3A_347 = vector.broadcast %add3A_346 : i32 to vector<16xi32>
                    %add3A_348 = arith.addi %mul3A_163, %scan3A_330 : i32
                    %broadcast_in_dim3A_349 = vector.broadcast %add3A_348 : i32 to vector<16xi32>
                    tpu.vector_store_idx %arg7[%broadcast_in_dim3A_347], %broadcast_in_dim3A_349 masked %lt3A_6 : memref<4096xi32, #tpu.memory_space<vmem>>[vector<16xi32>], vector<16xi32>, vector<16xi1>
                  } else {
                  }
                  %convert_element_type3A_342 = arith.extui %and3A_338 : i1 to i32
                  %add3A_343 = arith.addi %scan3A_331, %convert_element_type3A_342 : i32
                  scf.yield %add3A_343 : i32
                }
                %scan3A_329 = arith.constant 32 : i32
                scf.yield %scan3A_328 : i32
              } else {
                scf.yield %cond3A_155 : i32
              }
              %slice3A_170 = vector.extract_strided_slice %get3A_87 {offsets = [5], sizes = [1], strides = [1]} : vector<16xi32> to vector<1xi32>
              %squeeze3A_171 = vector.extract %slice3A_170[0] : i32 from vector<1xi32>
              %mul3A_172 = arith.constant 16 : i32
              %mul3A_173 = arith.muli %scan3A_80, %mul3A_172 : i32
              %add3A_174 = arith.constant 5 : i32
              %add3A_175 = arith.addi %mul3A_173, %add3A_174 : i32
              %mul3A_176 = arith.constant 32 : i32
              %mul3A_177 = arith.muli %add3A_175, %mul3A_176 : i32
              %ne3A_178 = arith.constant 0 : i32
              %ne3A_179 = arith.cmpi ne, %squeeze3A_171, %ne3A_178 : i32
              %convert_element_type3A_180 = arith.extui %ne3A_179 : i1 to i32
              %cond3A_181 = arith.constant 0 : i32
              %cond3A_182 = arith.cmpi ne, %convert_element_type3A_180, %cond3A_181 : i32
              %cond3A_183 = scf.if %cond3A_182 -> (i32) {
                %scan3A_324 = arith.constant 0 : i32
                %scan3A_325 = arith.constant 32 : i32
                %scan3A_326 = arith.addi %scan3A_324, %scan3A_325 : i32
                %scan3A_327 = arith.constant 1 : i32
                %scan3A_328 = scf.for %scan3A_330 = %scan3A_324 to %scan3A_326 step %scan3A_327 iter_args(%scan3A_331 = %cond3A_169) -> (i32)  : i32 {
                  %shift_right_arithmetic3A = arith.shrsi %squeeze3A_171, %scan3A_330 : i32
                  %and3A_332 = arith.constant 1 : i32
                  %and3A_333 = arith.andi %shift_right_arithmetic3A, %and3A_332 : i32
                  %gt3A_334 = arith.constant 0 : i32
                  %gt3A_335 = arith.cmpi sgt, %and3A_333, %gt3A_334 : i32
                  %lt3A_336 = arith.constant 32 : i32
                  %lt3A_337 = arith.cmpi slt, %scan3A_331, %lt3A_336 : i32
                  %and3A_338 = arith.andi %gt3A_335, %lt3A_337 : i1
                  %convert_element_type3A_339 = arith.extui %and3A_338 : i1 to i32
                  %cond3A_340 = arith.constant 0 : i32
                  %cond3A_341 = arith.cmpi ne, %convert_element_type3A_339, %cond3A_340 : i32
                  scf.if %cond3A_341 {
                    %mul3A_344 = arith.constant 32 : i32
                    %mul3A_345 = arith.muli %scan3A_52, %mul3A_344 : i32
                    %add3A_346 = arith.addi %mul3A_345, %scan3A_331 : i32
                    %broadcast_in_dim3A_347 = vector.broadcast %add3A_346 : i32 to vector<16xi32>
                    %add3A_348 = arith.addi %mul3A_177, %scan3A_330 : i32
                    %broadcast_in_dim3A_349 = vector.broadcast %add3A_348 : i32 to vector<16xi32>
                    tpu.vector_store_idx %arg7[%broadcast_in_dim3A_347], %broadcast_in_dim3A_349 masked %lt3A_6 : memref<4096xi32, #tpu.memory_space<vmem>>[vector<16xi32>], vector<16xi32>, vector<16xi1>
                  } else {
                  }
                  %convert_element_type3A_342 = arith.extui %and3A_338 : i1 to i32
                  %add3A_343 = arith.addi %scan3A_331, %convert_element_type3A_342 : i32
                  scf.yield %add3A_343 : i32
                }
                %scan3A_329 = arith.constant 32 : i32
                scf.yield %scan3A_328 : i32
              } else {
                scf.yield %cond3A_169 : i32
              }
              %slice3A_184 = vector.extract_strided_slice %get3A_87 {offsets = [6], sizes = [1], strides = [1]} : vector<16xi32> to vector<1xi32>
              %squeeze3A_185 = vector.extract %slice3A_184[0] : i32 from vector<1xi32>
              %mul3A_186 = arith.constant 16 : i32
              %mul3A_187 = arith.muli %scan3A_80, %mul3A_186 : i32
              %add3A_188 = arith.constant 6 : i32
              %add3A_189 = arith.addi %mul3A_187, %add3A_188 : i32
              %mul3A_190 = arith.constant 32 : i32
              %mul3A_191 = arith.muli %add3A_189, %mul3A_190 : i32
              %ne3A_192 = arith.constant 0 : i32
              %ne3A_193 = arith.cmpi ne, %squeeze3A_185, %ne3A_192 : i32
              %convert_element_type3A_194 = arith.extui %ne3A_193 : i1 to i32
              %cond3A_195 = arith.constant 0 : i32
              %cond3A_196 = arith.cmpi ne, %convert_element_type3A_194, %cond3A_195 : i32
              %cond3A_197 = scf.if %cond3A_196 -> (i32) {
                %scan3A_324 = arith.constant 0 : i32
                %scan3A_325 = arith.constant 32 : i32
                %scan3A_326 = arith.addi %scan3A_324, %scan3A_325 : i32
                %scan3A_327 = arith.constant 1 : i32
                %scan3A_328 = scf.for %scan3A_330 = %scan3A_324 to %scan3A_326 step %scan3A_327 iter_args(%scan3A_331 = %cond3A_183) -> (i32)  : i32 {
                  %shift_right_arithmetic3A = arith.shrsi %squeeze3A_185, %scan3A_330 : i32
                  %and3A_332 = arith.constant 1 : i32
                  %and3A_333 = arith.andi %shift_right_arithmetic3A, %and3A_332 : i32
                  %gt3A_334 = arith.constant 0 : i32
                  %gt3A_335 = arith.cmpi sgt, %and3A_333, %gt3A_334 : i32
                  %lt3A_336 = arith.constant 32 : i32
                  %lt3A_337 = arith.cmpi slt, %scan3A_331, %lt3A_336 : i32
                  %and3A_338 = arith.andi %gt3A_335, %lt3A_337 : i1
                  %convert_element_type3A_339 = arith.extui %and3A_338 : i1 to i32
                  %cond3A_340 = arith.constant 0 : i32
                  %cond3A_341 = arith.cmpi ne, %convert_element_type3A_339, %cond3A_340 : i32
                  scf.if %cond3A_341 {
                    %mul3A_344 = arith.constant 32 : i32
                    %mul3A_345 = arith.muli %scan3A_52, %mul3A_344 : i32
                    %add3A_346 = arith.addi %mul3A_345, %scan3A_331 : i32
                    %broadcast_in_dim3A_347 = vector.broadcast %add3A_346 : i32 to vector<16xi32>
                    %add3A_348 = arith.addi %mul3A_191, %scan3A_330 : i32
                    %broadcast_in_dim3A_349 = vector.broadcast %add3A_348 : i32 to vector<16xi32>
                    tpu.vector_store_idx %arg7[%broadcast_in_dim3A_347], %broadcast_in_dim3A_349 masked %lt3A_6 : memref<4096xi32, #tpu.memory_space<vmem>>[vector<16xi32>], vector<16xi32>, vector<16xi1>
                  } else {
                  }
                  %convert_element_type3A_342 = arith.extui %and3A_338 : i1 to i32
                  %add3A_343 = arith.addi %scan3A_331, %convert_element_type3A_342 : i32
                  scf.yield %add3A_343 : i32
                }
                %scan3A_329 = arith.constant 32 : i32
                scf.yield %scan3A_328 : i32
              } else {
                scf.yield %cond3A_183 : i32
              }
              %slice3A_198 = vector.extract_strided_slice %get3A_87 {offsets = [7], sizes = [1], strides = [1]} : vector<16xi32> to vector<1xi32>
              %squeeze3A_199 = vector.extract %slice3A_198[0] : i32 from vector<1xi32>
              %mul3A_200 = arith.constant 16 : i32
              %mul3A_201 = arith.muli %scan3A_80, %mul3A_200 : i32
              %add3A_202 = arith.constant 7 : i32
              %add3A_203 = arith.addi %mul3A_201, %add3A_202 : i32
              %mul3A_204 = arith.constant 32 : i32
              %mul3A_205 = arith.muli %add3A_203, %mul3A_204 : i32
              %ne3A_206 = arith.constant 0 : i32
              %ne3A_207 = arith.cmpi ne, %squeeze3A_199, %ne3A_206 : i32
              %convert_element_type3A_208 = arith.extui %ne3A_207 : i1 to i32
              %cond3A_209 = arith.constant 0 : i32
              %cond3A_210 = arith.cmpi ne, %convert_element_type3A_208, %cond3A_209 : i32
              %cond3A_211 = scf.if %cond3A_210 -> (i32) {
                %scan3A_324 = arith.constant 0 : i32
                %scan3A_325 = arith.constant 32 : i32
                %scan3A_326 = arith.addi %scan3A_324, %scan3A_325 : i32
                %scan3A_327 = arith.constant 1 : i32
                %scan3A_328 = scf.for %scan3A_330 = %scan3A_324 to %scan3A_326 step %scan3A_327 iter_args(%scan3A_331 = %cond3A_197) -> (i32)  : i32 {
                  %shift_right_arithmetic3A = arith.shrsi %squeeze3A_199, %scan3A_330 : i32
                  %and3A_332 = arith.constant 1 : i32
                  %and3A_333 = arith.andi %shift_right_arithmetic3A, %and3A_332 : i32
                  %gt3A_334 = arith.constant 0 : i32
                  %gt3A_335 = arith.cmpi sgt, %and3A_333, %gt3A_334 : i32
                  %lt3A_336 = arith.constant 32 : i32
                  %lt3A_337 = arith.cmpi slt, %scan3A_331, %lt3A_336 : i32
                  %and3A_338 = arith.andi %gt3A_335, %lt3A_337 : i1
                  %convert_element_type3A_339 = arith.extui %and3A_338 : i1 to i32
                  %cond3A_340 = arith.constant 0 : i32
                  %cond3A_341 = arith.cmpi ne, %convert_element_type3A_339, %cond3A_340 : i32
                  scf.if %cond3A_341 {
                    %mul3A_344 = arith.constant 32 : i32
                    %mul3A_345 = arith.muli %scan3A_52, %mul3A_344 : i32
                    %add3A_346 = arith.addi %mul3A_345, %scan3A_331 : i32
                    %broadcast_in_dim3A_347 = vector.broadcast %add3A_346 : i32 to vector<16xi32>
                    %add3A_348 = arith.addi %mul3A_205, %scan3A_330 : i32
                    %broadcast_in_dim3A_349 = vector.broadcast %add3A_348 : i32 to vector<16xi32>
                    tpu.vector_store_idx %arg7[%broadcast_in_dim3A_347], %broadcast_in_dim3A_349 masked %lt3A_6 : memref<4096xi32, #tpu.memory_space<vmem>>[vector<16xi32>], vector<16xi32>, vector<16xi1>
                  } else {
                  }
                  %convert_element_type3A_342 = arith.extui %and3A_338 : i1 to i32
                  %add3A_343 = arith.addi %scan3A_331, %convert_element_type3A_342 : i32
                  scf.yield %add3A_343 : i32
                }
                %scan3A_329 = arith.constant 32 : i32
                scf.yield %scan3A_328 : i32
              } else {
                scf.yield %cond3A_197 : i32
              }
              %slice3A_212 = vector.extract_strided_slice %get3A_87 {offsets = [8], sizes = [1], strides = [1]} : vector<16xi32> to vector<1xi32>
              %squeeze3A_213 = vector.extract %slice3A_212[0] : i32 from vector<1xi32>
              %mul3A_214 = arith.constant 16 : i32
              %mul3A_215 = arith.muli %scan3A_80, %mul3A_214 : i32
              %add3A_216 = arith.constant 8 : i32
              %add3A_217 = arith.addi %mul3A_215, %add3A_216 : i32
              %mul3A_218 = arith.constant 32 : i32
              %mul3A_219 = arith.muli %add3A_217, %mul3A_218 : i32
              %ne3A_220 = arith.constant 0 : i32
              %ne3A_221 = arith.cmpi ne, %squeeze3A_213, %ne3A_220 : i32
              %convert_element_type3A_222 = arith.extui %ne3A_221 : i1 to i32
              %cond3A_223 = arith.constant 0 : i32
              %cond3A_224 = arith.cmpi ne, %convert_element_type3A_222, %cond3A_223 : i32
              %cond3A_225 = scf.if %cond3A_224 -> (i32) {
                %scan3A_324 = arith.constant 0 : i32
                %scan3A_325 = arith.constant 32 : i32
                %scan3A_326 = arith.addi %scan3A_324, %scan3A_325 : i32
                %scan3A_327 = arith.constant 1 : i32
                %scan3A_328 = scf.for %scan3A_330 = %scan3A_324 to %scan3A_326 step %scan3A_327 iter_args(%scan3A_331 = %cond3A_211) -> (i32)  : i32 {
                  %shift_right_arithmetic3A = arith.shrsi %squeeze3A_213, %scan3A_330 : i32
                  %and3A_332 = arith.constant 1 : i32
                  %and3A_333 = arith.andi %shift_right_arithmetic3A, %and3A_332 : i32
                  %gt3A_334 = arith.constant 0 : i32
                  %gt3A_335 = arith.cmpi sgt, %and3A_333, %gt3A_334 : i32
                  %lt3A_336 = arith.constant 32 : i32
                  %lt3A_337 = arith.cmpi slt, %scan3A_331, %lt3A_336 : i32
                  %and3A_338 = arith.andi %gt3A_335, %lt3A_337 : i1
                  %convert_element_type3A_339 = arith.extui %and3A_338 : i1 to i32
                  %cond3A_340 = arith.constant 0 : i32
                  %cond3A_341 = arith.cmpi ne, %convert_element_type3A_339, %cond3A_340 : i32
                  scf.if %cond3A_341 {
                    %mul3A_344 = arith.constant 32 : i32
                    %mul3A_345 = arith.muli %scan3A_52, %mul3A_344 : i32
                    %add3A_346 = arith.addi %mul3A_345, %scan3A_331 : i32
                    %broadcast_in_dim3A_347 = vector.broadcast %add3A_346 : i32 to vector<16xi32>
                    %add3A_348 = arith.addi %mul3A_219, %scan3A_330 : i32
                    %broadcast_in_dim3A_349 = vector.broadcast %add3A_348 : i32 to vector<16xi32>
                    tpu.vector_store_idx %arg7[%broadcast_in_dim3A_347], %broadcast_in_dim3A_349 masked %lt3A_6 : memref<4096xi32, #tpu.memory_space<vmem>>[vector<16xi32>], vector<16xi32>, vector<16xi1>
                  } else {
                  }
                  %convert_element_type3A_342 = arith.extui %and3A_338 : i1 to i32
                  %add3A_343 = arith.addi %scan3A_331, %convert_element_type3A_342 : i32
                  scf.yield %add3A_343 : i32
                }
                %scan3A_329 = arith.constant 32 : i32
                scf.yield %scan3A_328 : i32
              } else {
                scf.yield %cond3A_211 : i32
              }
              %slice3A_226 = vector.extract_strided_slice %get3A_87 {offsets = [9], sizes = [1], strides = [1]} : vector<16xi32> to vector<1xi32>
              %squeeze3A_227 = vector.extract %slice3A_226[0] : i32 from vector<1xi32>
              %mul3A_228 = arith.constant 16 : i32
              %mul3A_229 = arith.muli %scan3A_80, %mul3A_228 : i32
              %add3A_230 = arith.constant 9 : i32
              %add3A_231 = arith.addi %mul3A_229, %add3A_230 : i32
              %mul3A_232 = arith.constant 32 : i32
              %mul3A_233 = arith.muli %add3A_231, %mul3A_232 : i32
              %ne3A_234 = arith.constant 0 : i32
              %ne3A_235 = arith.cmpi ne, %squeeze3A_227, %ne3A_234 : i32
              %convert_element_type3A_236 = arith.extui %ne3A_235 : i1 to i32
              %cond3A_237 = arith.constant 0 : i32
              %cond3A_238 = arith.cmpi ne, %convert_element_type3A_236, %cond3A_237 : i32
              %cond3A_239 = scf.if %cond3A_238 -> (i32) {
                %scan3A_324 = arith.constant 0 : i32
                %scan3A_325 = arith.constant 32 : i32
                %scan3A_326 = arith.addi %scan3A_324, %scan3A_325 : i32
                %scan3A_327 = arith.constant 1 : i32
                %scan3A_328 = scf.for %scan3A_330 = %scan3A_324 to %scan3A_326 step %scan3A_327 iter_args(%scan3A_331 = %cond3A_225) -> (i32)  : i32 {
                  %shift_right_arithmetic3A = arith.shrsi %squeeze3A_227, %scan3A_330 : i32
                  %and3A_332 = arith.constant 1 : i32
                  %and3A_333 = arith.andi %shift_right_arithmetic3A, %and3A_332 : i32
                  %gt3A_334 = arith.constant 0 : i32
                  %gt3A_335 = arith.cmpi sgt, %and3A_333, %gt3A_334 : i32
                  %lt3A_336 = arith.constant 32 : i32
                  %lt3A_337 = arith.cmpi slt, %scan3A_331, %lt3A_336 : i32
                  %and3A_338 = arith.andi %gt3A_335, %lt3A_337 : i1
                  %convert_element_type3A_339 = arith.extui %and3A_338 : i1 to i32
                  %cond3A_340 = arith.constant 0 : i32
                  %cond3A_341 = arith.cmpi ne, %convert_element_type3A_339, %cond3A_340 : i32
                  scf.if %cond3A_341 {
                    %mul3A_344 = arith.constant 32 : i32
                    %mul3A_345 = arith.muli %scan3A_52, %mul3A_344 : i32
                    %add3A_346 = arith.addi %mul3A_345, %scan3A_331 : i32
                    %broadcast_in_dim3A_347 = vector.broadcast %add3A_346 : i32 to vector<16xi32>
                    %add3A_348 = arith.addi %mul3A_233, %scan3A_330 : i32
                    %broadcast_in_dim3A_349 = vector.broadcast %add3A_348 : i32 to vector<16xi32>
                    tpu.vector_store_idx %arg7[%broadcast_in_dim3A_347], %broadcast_in_dim3A_349 masked %lt3A_6 : memref<4096xi32, #tpu.memory_space<vmem>>[vector<16xi32>], vector<16xi32>, vector<16xi1>
                  } else {
                  }
                  %convert_element_type3A_342 = arith.extui %and3A_338 : i1 to i32
                  %add3A_343 = arith.addi %scan3A_331, %convert_element_type3A_342 : i32
                  scf.yield %add3A_343 : i32
                }
                %scan3A_329 = arith.constant 32 : i32
                scf.yield %scan3A_328 : i32
              } else {
                scf.yield %cond3A_225 : i32
              }
              %slice3A_240 = vector.extract_strided_slice %get3A_87 {offsets = [10], sizes = [1], strides = [1]} : vector<16xi32> to vector<1xi32>
              %squeeze3A_241 = vector.extract %slice3A_240[0] : i32 from vector<1xi32>
              %mul3A_242 = arith.constant 16 : i32
              %mul3A_243 = arith.muli %scan3A_80, %mul3A_242 : i32
              %add3A_244 = arith.constant 10 : i32
              %add3A_245 = arith.addi %mul3A_243, %add3A_244 : i32
              %mul3A_246 = arith.constant 32 : i32
              %mul3A_247 = arith.muli %add3A_245, %mul3A_246 : i32
              %ne3A_248 = arith.constant 0 : i32
              %ne3A_249 = arith.cmpi ne, %squeeze3A_241, %ne3A_248 : i32
              %convert_element_type3A_250 = arith.extui %ne3A_249 : i1 to i32
              %cond3A_251 = arith.constant 0 : i32
              %cond3A_252 = arith.cmpi ne, %convert_element_type3A_250, %cond3A_251 : i32
              %cond3A_253 = scf.if %cond3A_252 -> (i32) {
                %scan3A_324 = arith.constant 0 : i32
                %scan3A_325 = arith.constant 32 : i32
                %scan3A_326 = arith.addi %scan3A_324, %scan3A_325 : i32
                %scan3A_327 = arith.constant 1 : i32
                %scan3A_328 = scf.for %scan3A_330 = %scan3A_324 to %scan3A_326 step %scan3A_327 iter_args(%scan3A_331 = %cond3A_239) -> (i32)  : i32 {
                  %shift_right_arithmetic3A = arith.shrsi %squeeze3A_241, %scan3A_330 : i32
                  %and3A_332 = arith.constant 1 : i32
                  %and3A_333 = arith.andi %shift_right_arithmetic3A, %and3A_332 : i32
                  %gt3A_334 = arith.constant 0 : i32
                  %gt3A_335 = arith.cmpi sgt, %and3A_333, %gt3A_334 : i32
                  %lt3A_336 = arith.constant 32 : i32
                  %lt3A_337 = arith.cmpi slt, %scan3A_331, %lt3A_336 : i32
                  %and3A_338 = arith.andi %gt3A_335, %lt3A_337 : i1
                  %convert_element_type3A_339 = arith.extui %and3A_338 : i1 to i32
                  %cond3A_340 = arith.constant 0 : i32
                  %cond3A_341 = arith.cmpi ne, %convert_element_type3A_339, %cond3A_340 : i32
                  scf.if %cond3A_341 {
                    %mul3A_344 = arith.constant 32 : i32
                    %mul3A_345 = arith.muli %scan3A_52, %mul3A_344 : i32
                    %add3A_346 = arith.addi %mul3A_345, %scan3A_331 : i32
                    %broadcast_in_dim3A_347 = vector.broadcast %add3A_346 : i32 to vector<16xi32>
                    %add3A_348 = arith.addi %mul3A_247, %scan3A_330 : i32
                    %broadcast_in_dim3A_349 = vector.broadcast %add3A_348 : i32 to vector<16xi32>
                    tpu.vector_store_idx %arg7[%broadcast_in_dim3A_347], %broadcast_in_dim3A_349 masked %lt3A_6 : memref<4096xi32, #tpu.memory_space<vmem>>[vector<16xi32>], vector<16xi32>, vector<16xi1>
                  } else {
                  }
                  %convert_element_type3A_342 = arith.extui %and3A_338 : i1 to i32
                  %add3A_343 = arith.addi %scan3A_331, %convert_element_type3A_342 : i32
                  scf.yield %add3A_343 : i32
                }
                %scan3A_329 = arith.constant 32 : i32
                scf.yield %scan3A_328 : i32
              } else {
                scf.yield %cond3A_239 : i32
              }
              %slice3A_254 = vector.extract_strided_slice %get3A_87 {offsets = [11], sizes = [1], strides = [1]} : vector<16xi32> to vector<1xi32>
              %squeeze3A_255 = vector.extract %slice3A_254[0] : i32 from vector<1xi32>
              %mul3A_256 = arith.constant 16 : i32
              %mul3A_257 = arith.muli %scan3A_80, %mul3A_256 : i32
              %add3A_258 = arith.constant 11 : i32
              %add3A_259 = arith.addi %mul3A_257, %add3A_258 : i32
              %mul3A_260 = arith.constant 32 : i32
              %mul3A_261 = arith.muli %add3A_259, %mul3A_260 : i32
              %ne3A_262 = arith.constant 0 : i32
              %ne3A_263 = arith.cmpi ne, %squeeze3A_255, %ne3A_262 : i32
              %convert_element_type3A_264 = arith.extui %ne3A_263 : i1 to i32
              %cond3A_265 = arith.constant 0 : i32
              %cond3A_266 = arith.cmpi ne, %convert_element_type3A_264, %cond3A_265 : i32
              %cond3A_267 = scf.if %cond3A_266 -> (i32) {
                %scan3A_324 = arith.constant 0 : i32
                %scan3A_325 = arith.constant 32 : i32
                %scan3A_326 = arith.addi %scan3A_324, %scan3A_325 : i32
                %scan3A_327 = arith.constant 1 : i32
                %scan3A_328 = scf.for %scan3A_330 = %scan3A_324 to %scan3A_326 step %scan3A_327 iter_args(%scan3A_331 = %cond3A_253) -> (i32)  : i32 {
                  %shift_right_arithmetic3A = arith.shrsi %squeeze3A_255, %scan3A_330 : i32
                  %and3A_332 = arith.constant 1 : i32
                  %and3A_333 = arith.andi %shift_right_arithmetic3A, %and3A_332 : i32
                  %gt3A_334 = arith.constant 0 : i32
                  %gt3A_335 = arith.cmpi sgt, %and3A_333, %gt3A_334 : i32
                  %lt3A_336 = arith.constant 32 : i32
                  %lt3A_337 = arith.cmpi slt, %scan3A_331, %lt3A_336 : i32
                  %and3A_338 = arith.andi %gt3A_335, %lt3A_337 : i1
                  %convert_element_type3A_339 = arith.extui %and3A_338 : i1 to i32
                  %cond3A_340 = arith.constant 0 : i32
                  %cond3A_341 = arith.cmpi ne, %convert_element_type3A_339, %cond3A_340 : i32
                  scf.if %cond3A_341 {
                    %mul3A_344 = arith.constant 32 : i32
                    %mul3A_345 = arith.muli %scan3A_52, %mul3A_344 : i32
                    %add3A_346 = arith.addi %mul3A_345, %scan3A_331 : i32
                    %broadcast_in_dim3A_347 = vector.broadcast %add3A_346 : i32 to vector<16xi32>
                    %add3A_348 = arith.addi %mul3A_261, %scan3A_330 : i32
                    %broadcast_in_dim3A_349 = vector.broadcast %add3A_348 : i32 to vector<16xi32>
                    tpu.vector_store_idx %arg7[%broadcast_in_dim3A_347], %broadcast_in_dim3A_349 masked %lt3A_6 : memref<4096xi32, #tpu.memory_space<vmem>>[vector<16xi32>], vector<16xi32>, vector<16xi1>
                  } else {
                  }
                  %convert_element_type3A_342 = arith.extui %and3A_338 : i1 to i32
                  %add3A_343 = arith.addi %scan3A_331, %convert_element_type3A_342 : i32
                  scf.yield %add3A_343 : i32
                }
                %scan3A_329 = arith.constant 32 : i32
                scf.yield %scan3A_328 : i32
              } else {
                scf.yield %cond3A_253 : i32
              }
              %slice3A_268 = vector.extract_strided_slice %get3A_87 {offsets = [12], sizes = [1], strides = [1]} : vector<16xi32> to vector<1xi32>
              %squeeze3A_269 = vector.extract %slice3A_268[0] : i32 from vector<1xi32>
              %mul3A_270 = arith.constant 16 : i32
              %mul3A_271 = arith.muli %scan3A_80, %mul3A_270 : i32
              %add3A_272 = arith.constant 12 : i32
              %add3A_273 = arith.addi %mul3A_271, %add3A_272 : i32
              %mul3A_274 = arith.constant 32 : i32
              %mul3A_275 = arith.muli %add3A_273, %mul3A_274 : i32
              %ne3A_276 = arith.constant 0 : i32
              %ne3A_277 = arith.cmpi ne, %squeeze3A_269, %ne3A_276 : i32
              %convert_element_type3A_278 = arith.extui %ne3A_277 : i1 to i32
              %cond3A_279 = arith.constant 0 : i32
              %cond3A_280 = arith.cmpi ne, %convert_element_type3A_278, %cond3A_279 : i32
              %cond3A_281 = scf.if %cond3A_280 -> (i32) {
                %scan3A_324 = arith.constant 0 : i32
                %scan3A_325 = arith.constant 32 : i32
                %scan3A_326 = arith.addi %scan3A_324, %scan3A_325 : i32
                %scan3A_327 = arith.constant 1 : i32
                %scan3A_328 = scf.for %scan3A_330 = %scan3A_324 to %scan3A_326 step %scan3A_327 iter_args(%scan3A_331 = %cond3A_267) -> (i32)  : i32 {
                  %shift_right_arithmetic3A = arith.shrsi %squeeze3A_269, %scan3A_330 : i32
                  %and3A_332 = arith.constant 1 : i32
                  %and3A_333 = arith.andi %shift_right_arithmetic3A, %and3A_332 : i32
                  %gt3A_334 = arith.constant 0 : i32
                  %gt3A_335 = arith.cmpi sgt, %and3A_333, %gt3A_334 : i32
                  %lt3A_336 = arith.constant 32 : i32
                  %lt3A_337 = arith.cmpi slt, %scan3A_331, %lt3A_336 : i32
                  %and3A_338 = arith.andi %gt3A_335, %lt3A_337 : i1
                  %convert_element_type3A_339 = arith.extui %and3A_338 : i1 to i32
                  %cond3A_340 = arith.constant 0 : i32
                  %cond3A_341 = arith.cmpi ne, %convert_element_type3A_339, %cond3A_340 : i32
                  scf.if %cond3A_341 {
                    %mul3A_344 = arith.constant 32 : i32
                    %mul3A_345 = arith.muli %scan3A_52, %mul3A_344 : i32
                    %add3A_346 = arith.addi %mul3A_345, %scan3A_331 : i32
                    %broadcast_in_dim3A_347 = vector.broadcast %add3A_346 : i32 to vector<16xi32>
                    %add3A_348 = arith.addi %mul3A_275, %scan3A_330 : i32
                    %broadcast_in_dim3A_349 = vector.broadcast %add3A_348 : i32 to vector<16xi32>
                    tpu.vector_store_idx %arg7[%broadcast_in_dim3A_347], %broadcast_in_dim3A_349 masked %lt3A_6 : memref<4096xi32, #tpu.memory_space<vmem>>[vector<16xi32>], vector<16xi32>, vector<16xi1>
                  } else {
                  }
                  %convert_element_type3A_342 = arith.extui %and3A_338 : i1 to i32
                  %add3A_343 = arith.addi %scan3A_331, %convert_element_type3A_342 : i32
                  scf.yield %add3A_343 : i32
                }
                %scan3A_329 = arith.constant 32 : i32
                scf.yield %scan3A_328 : i32
              } else {
                scf.yield %cond3A_267 : i32
              }
              %slice3A_282 = vector.extract_strided_slice %get3A_87 {offsets = [13], sizes = [1], strides = [1]} : vector<16xi32> to vector<1xi32>
              %squeeze3A_283 = vector.extract %slice3A_282[0] : i32 from vector<1xi32>
              %mul3A_284 = arith.constant 16 : i32
              %mul3A_285 = arith.muli %scan3A_80, %mul3A_284 : i32
              %add3A_286 = arith.constant 13 : i32
              %add3A_287 = arith.addi %mul3A_285, %add3A_286 : i32
              %mul3A_288 = arith.constant 32 : i32
              %mul3A_289 = arith.muli %add3A_287, %mul3A_288 : i32
              %ne3A_290 = arith.constant 0 : i32
              %ne3A_291 = arith.cmpi ne, %squeeze3A_283, %ne3A_290 : i32
              %convert_element_type3A_292 = arith.extui %ne3A_291 : i1 to i32
              %cond3A_293 = arith.constant 0 : i32
              %cond3A_294 = arith.cmpi ne, %convert_element_type3A_292, %cond3A_293 : i32
              %cond3A_295 = scf.if %cond3A_294 -> (i32) {
                %scan3A_324 = arith.constant 0 : i32
                %scan3A_325 = arith.constant 32 : i32
                %scan3A_326 = arith.addi %scan3A_324, %scan3A_325 : i32
                %scan3A_327 = arith.constant 1 : i32
                %scan3A_328 = scf.for %scan3A_330 = %scan3A_324 to %scan3A_326 step %scan3A_327 iter_args(%scan3A_331 = %cond3A_281) -> (i32)  : i32 {
                  %shift_right_arithmetic3A = arith.shrsi %squeeze3A_283, %scan3A_330 : i32
                  %and3A_332 = arith.constant 1 : i32
                  %and3A_333 = arith.andi %shift_right_arithmetic3A, %and3A_332 : i32
                  %gt3A_334 = arith.constant 0 : i32
                  %gt3A_335 = arith.cmpi sgt, %and3A_333, %gt3A_334 : i32
                  %lt3A_336 = arith.constant 32 : i32
                  %lt3A_337 = arith.cmpi slt, %scan3A_331, %lt3A_336 : i32
                  %and3A_338 = arith.andi %gt3A_335, %lt3A_337 : i1
                  %convert_element_type3A_339 = arith.extui %and3A_338 : i1 to i32
                  %cond3A_340 = arith.constant 0 : i32
                  %cond3A_341 = arith.cmpi ne, %convert_element_type3A_339, %cond3A_340 : i32
                  scf.if %cond3A_341 {
                    %mul3A_344 = arith.constant 32 : i32
                    %mul3A_345 = arith.muli %scan3A_52, %mul3A_344 : i32
                    %add3A_346 = arith.addi %mul3A_345, %scan3A_331 : i32
                    %broadcast_in_dim3A_347 = vector.broadcast %add3A_346 : i32 to vector<16xi32>
                    %add3A_348 = arith.addi %mul3A_289, %scan3A_330 : i32
                    %broadcast_in_dim3A_349 = vector.broadcast %add3A_348 : i32 to vector<16xi32>
                    tpu.vector_store_idx %arg7[%broadcast_in_dim3A_347], %broadcast_in_dim3A_349 masked %lt3A_6 : memref<4096xi32, #tpu.memory_space<vmem>>[vector<16xi32>], vector<16xi32>, vector<16xi1>
                  } else {
                  }
                  %convert_element_type3A_342 = arith.extui %and3A_338 : i1 to i32
                  %add3A_343 = arith.addi %scan3A_331, %convert_element_type3A_342 : i32
                  scf.yield %add3A_343 : i32
                }
                %scan3A_329 = arith.constant 32 : i32
                scf.yield %scan3A_328 : i32
              } else {
                scf.yield %cond3A_281 : i32
              }
              %slice3A_296 = vector.extract_strided_slice %get3A_87 {offsets = [14], sizes = [1], strides = [1]} : vector<16xi32> to vector<1xi32>
              %squeeze3A_297 = vector.extract %slice3A_296[0] : i32 from vector<1xi32>
              %mul3A_298 = arith.constant 16 : i32
              %mul3A_299 = arith.muli %scan3A_80, %mul3A_298 : i32
              %add3A_300 = arith.constant 14 : i32
              %add3A_301 = arith.addi %mul3A_299, %add3A_300 : i32
              %mul3A_302 = arith.constant 32 : i32
              %mul3A_303 = arith.muli %add3A_301, %mul3A_302 : i32
              %ne3A_304 = arith.constant 0 : i32
              %ne3A_305 = arith.cmpi ne, %squeeze3A_297, %ne3A_304 : i32
              %convert_element_type3A_306 = arith.extui %ne3A_305 : i1 to i32
              %cond3A_307 = arith.constant 0 : i32
              %cond3A_308 = arith.cmpi ne, %convert_element_type3A_306, %cond3A_307 : i32
              %cond3A_309 = scf.if %cond3A_308 -> (i32) {
                %scan3A_324 = arith.constant 0 : i32
                %scan3A_325 = arith.constant 32 : i32
                %scan3A_326 = arith.addi %scan3A_324, %scan3A_325 : i32
                %scan3A_327 = arith.constant 1 : i32
                %scan3A_328 = scf.for %scan3A_330 = %scan3A_324 to %scan3A_326 step %scan3A_327 iter_args(%scan3A_331 = %cond3A_295) -> (i32)  : i32 {
                  %shift_right_arithmetic3A = arith.shrsi %squeeze3A_297, %scan3A_330 : i32
                  %and3A_332 = arith.constant 1 : i32
                  %and3A_333 = arith.andi %shift_right_arithmetic3A, %and3A_332 : i32
                  %gt3A_334 = arith.constant 0 : i32
                  %gt3A_335 = arith.cmpi sgt, %and3A_333, %gt3A_334 : i32
                  %lt3A_336 = arith.constant 32 : i32
                  %lt3A_337 = arith.cmpi slt, %scan3A_331, %lt3A_336 : i32
                  %and3A_338 = arith.andi %gt3A_335, %lt3A_337 : i1
                  %convert_element_type3A_339 = arith.extui %and3A_338 : i1 to i32
                  %cond3A_340 = arith.constant 0 : i32
                  %cond3A_341 = arith.cmpi ne, %convert_element_type3A_339, %cond3A_340 : i32
                  scf.if %cond3A_341 {
                    %mul3A_344 = arith.constant 32 : i32
                    %mul3A_345 = arith.muli %scan3A_52, %mul3A_344 : i32
                    %add3A_346 = arith.addi %mul3A_345, %scan3A_331 : i32
                    %broadcast_in_dim3A_347 = vector.broadcast %add3A_346 : i32 to vector<16xi32>
                    %add3A_348 = arith.addi %mul3A_303, %scan3A_330 : i32
                    %broadcast_in_dim3A_349 = vector.broadcast %add3A_348 : i32 to vector<16xi32>
                    tpu.vector_store_idx %arg7[%broadcast_in_dim3A_347], %broadcast_in_dim3A_349 masked %lt3A_6 : memref<4096xi32, #tpu.memory_space<vmem>>[vector<16xi32>], vector<16xi32>, vector<16xi1>
                  } else {
                  }
                  %convert_element_type3A_342 = arith.extui %and3A_338 : i1 to i32
                  %add3A_343 = arith.addi %scan3A_331, %convert_element_type3A_342 : i32
                  scf.yield %add3A_343 : i32
                }
                %scan3A_329 = arith.constant 32 : i32
                scf.yield %scan3A_328 : i32
              } else {
                scf.yield %cond3A_295 : i32
              }
              %slice3A_310 = vector.extract_strided_slice %get3A_87 {offsets = [15], sizes = [1], strides = [1]} : vector<16xi32> to vector<1xi32>
              %squeeze3A_311 = vector.extract %slice3A_310[0] : i32 from vector<1xi32>
              %mul3A_312 = arith.constant 16 : i32
              %mul3A_313 = arith.muli %scan3A_80, %mul3A_312 : i32
              %add3A_314 = arith.constant 15 : i32
              %add3A_315 = arith.addi %mul3A_313, %add3A_314 : i32
              %mul3A_316 = arith.constant 32 : i32
              %mul3A_317 = arith.muli %add3A_315, %mul3A_316 : i32
              %ne3A_318 = arith.constant 0 : i32
              %ne3A_319 = arith.cmpi ne, %squeeze3A_311, %ne3A_318 : i32
              %convert_element_type3A_320 = arith.extui %ne3A_319 : i1 to i32
              %cond3A_321 = arith.constant 0 : i32
              %cond3A_322 = arith.cmpi ne, %convert_element_type3A_320, %cond3A_321 : i32
              %cond3A_323 = scf.if %cond3A_322 -> (i32) {
                %scan3A_324 = arith.constant 0 : i32
                %scan3A_325 = arith.constant 32 : i32
                %scan3A_326 = arith.addi %scan3A_324, %scan3A_325 : i32
                %scan3A_327 = arith.constant 1 : i32
                %scan3A_328 = scf.for %scan3A_330 = %scan3A_324 to %scan3A_326 step %scan3A_327 iter_args(%scan3A_331 = %cond3A_309) -> (i32)  : i32 {
                  %shift_right_arithmetic3A = arith.shrsi %squeeze3A_311, %scan3A_330 : i32
                  %and3A_332 = arith.constant 1 : i32
                  %and3A_333 = arith.andi %shift_right_arithmetic3A, %and3A_332 : i32
                  %gt3A_334 = arith.constant 0 : i32
                  %gt3A_335 = arith.cmpi sgt, %and3A_333, %gt3A_334 : i32
                  %lt3A_336 = arith.constant 32 : i32
                  %lt3A_337 = arith.cmpi slt, %scan3A_331, %lt3A_336 : i32
                  %and3A_338 = arith.andi %gt3A_335, %lt3A_337 : i1
                  %convert_element_type3A_339 = arith.extui %and3A_338 : i1 to i32
                  %cond3A_340 = arith.constant 0 : i32
                  %cond3A_341 = arith.cmpi ne, %convert_element_type3A_339, %cond3A_340 : i32
                  scf.if %cond3A_341 {
                    %mul3A_344 = arith.constant 32 : i32
                    %mul3A_345 = arith.muli %scan3A_52, %mul3A_344 : i32
                    %add3A_346 = arith.addi %mul3A_345, %scan3A_331 : i32
                    %broadcast_in_dim3A_347 = vector.broadcast %add3A_346 : i32 to vector<16xi32>
                    %add3A_348 = arith.addi %mul3A_317, %scan3A_330 : i32
                    %broadcast_in_dim3A_349 = vector.broadcast %add3A_348 : i32 to vector<16xi32>
                    tpu.vector_store_idx %arg7[%broadcast_in_dim3A_347], %broadcast_in_dim3A_349 masked %lt3A_6 : memref<4096xi32, #tpu.memory_space<vmem>>[vector<16xi32>], vector<16xi32>, vector<16xi1>
                  } else {
                  }
                  %convert_element_type3A_342 = arith.extui %and3A_338 : i1 to i32
                  %add3A_343 = arith.addi %scan3A_331, %convert_element_type3A_342 : i32
                  scf.yield %add3A_343 : i32
                }
                %scan3A_329 = arith.constant 32 : i32
                scf.yield %scan3A_328 : i32
              } else {
                scf.yield %cond3A_309 : i32
              }
              scf.yield %cond3A_323 : i32
            } else {
              scf.yield %scan3A_81 : i32
            }
            scf.yield %cond3A_99 : i32
          }
          %scan3A_79 = arith.constant 4 : i32
        } else {
        }
      }
      %scan3A_51 = arith.constant 128 : i32
    } else {
    }
    %mul3A_41 = arith.constant 32 : i32
    %mul3A_42 = arith.muli %mul3A_2, %mul3A_41 : i32
    "tpu.region"() ({
      %run_scoped3A = tpu.sem_alloc : memref<!tpu.dma_semaphore, #tpu.memory_space<semaphore_mem>>
      %dma_start3A_43 = tpu.memref_slice %arg4[%mul3A_42] : memref<131072xi32, #tpu.memory_space<hbm>> -> memref<4096xi32, #tpu.memory_space<hbm>>
      %dma_start3A_44 = tpu.memref_slice %arg4[%mul3A_42] : memref<131072xi32, #tpu.memory_space<hbm>> -> memref<4096xi32, #tpu.memory_space<hbm>>
      tpu.enqueue_dma source(%arg7 : memref<4096xi32, #tpu.memory_space<vmem>>) target(%dma_start3A_44 : memref<4096xi32, #tpu.memory_space<hbm>>) target_semaphore(%run_scoped3A : memref<!tpu.dma_semaphore, #tpu.memory_space<semaphore_mem>>)
      %dma_wait3A_45 = tpu.memref_slice %arg4[%mul3A_42] : memref<131072xi32, #tpu.memory_space<hbm>> -> memref<4096xi32, #tpu.memory_space<hbm>>
      %dma_wait3A_46 = tpu.memref_slice %arg4[%mul3A_42] : memref<131072xi32, #tpu.memory_space<hbm>> -> memref<4096xi32, #tpu.memory_space<hbm>>
      tpu.wait_dma2 semaphore(%run_scoped3A : memref<!tpu.dma_semaphore, #tpu.memory_space<semaphore_mem>>) src(%arg7 : memref<4096xi32, #tpu.memory_space<vmem>>) dst(%dma_wait3A_46 : memref<4096xi32, #tpu.memory_space<hbm>>)
      tpu.yield
    }) : () -> ()
    return
  }
}

module attributes {stable_mosaic.version = 14 : i64} {
  func.func @_fused_body(%arg0: i32, %arg1: memref<1x2048x1024xf32, #tpu.memory_space<vmem>>, %arg2: memref<1x2048x1024xf32, #tpu.memory_space<vmem>>, %arg3: memref<16x1024xf32, #tpu.memory_space<vmem>>, %arg4: memref<16x2xf32, #tpu.memory_space<vmem>>, %arg5: memref<2048x272xbf16, #tpu.memory_space<vmem>>, %arg6: memref<2048x64xi32, #tpu.memory_space<vmem>>, %arg7: memref<16x128xi32, #tpu.memory_space<vmem>>) attributes {dimension_semantics = [#tpu.dimension_semantics<arbitrary>], iteration_bounds = array<i64: 2>, scalar_prefetch = 0 : i64, scratch_operands = 0 : i64, tpu.core_type = #tpu.core_type<tc>, window_params = [{transform_indices = @transform_0, window_bounds = array<i64: 1, 2048, 1024>}, {transform_indices = @transform_1, window_bounds = array<i64: 1, 2048, 1024>}, {pipeline_mode = #tpu.pipeline_mode<synchronous>, transform_indices = @transform_2, window_bounds = array<i64: 16, 1024>}, {pipeline_mode = #tpu.pipeline_mode<synchronous>, transform_indices = @transform_3, window_bounds = array<i64: 16, 2>}, {pipeline_mode = #tpu.pipeline_mode<synchronous>, transform_indices = @transform_4, window_bounds = array<i64: 2048, 272>}, {transform_indices = @transform_5, window_bounds = array<i64: 2048, 64>}, {transform_indices = @transform_6, window_bounds = array<i64: 16, 128>}]} {
    %get3A = arith.constant 0 : index
    %get3A_0 = arith.constant 0 : index
    %get3A_1 = vector.load %arg3[%get3A, %get3A_0] : memref<16x1024xf32, #tpu.memory_space<vmem>>, vector<16x1024xf32>
    %get3A_2 = arith.constant 0 : index
    %get3A_3 = arith.constant 0 : index
    %get3A_4 = vector.load %arg4[%get3A_2, %get3A_3] : memref<16x2xf32, #tpu.memory_space<vmem>>, vector<16x2xf32>
    %dot_general3A = arith.constant dense<0.000000e+00> : vector<1024x2xf32>
    %dot_general3A_5 = tpu.matmul %get3A_1, %get3A_4, %dot_general3A {dimension_numbers = #tpu.dot_dimension_numbers<[0], [0], [1], [1], [0, 1, 1, 1], [], []>, transpose_lhs_hint = false} : vector<16x1024xf32>, vector<16x2xf32>, vector<1024x2xf32> -> vector<1024x2xf32>
    %get3A_6 = arith.constant 0 : index
    %get3A_7 = arith.constant 0 : index
    %get3A_8 = arith.constant 0 : index
    %get3A_9 = vector.load %arg2[%get3A_6, %get3A_7, %get3A_8] : memref<1x2048x1024xf32, #tpu.memory_space<vmem>>, vector<1x2048x1024xf32>
    %reshape3A = vector.shape_cast %get3A_9 : vector<1x2048x1024xf32> to vector<2048x1024xf32>
    %gt3A = arith.constant 0.000000e+00 : f32
    %gt3A_10 = vector.broadcast %gt3A : f32 to vector<2048x1024xf32>
    %gt3A_11 = arith.cmpf ogt, %reshape3A, %gt3A_10 : vector<2048x1024xf32>
    %convert_element_type3A = arith.extui %gt3A_11 : vector<2048x1024xi1> to vector<2048x1024xi32>
    %convert_element_type3A_12 = arith.sitofp %convert_element_type3A : vector<2048x1024xi32> to vector<2048x1024xf32>
    %dot_general3A_13 = arith.constant dense<0.000000e+00> : vector<2048x2xf32>
    %dot_general3A_14 = tpu.matmul %convert_element_type3A_12, %dot_general3A_5, %dot_general3A_13 {dimension_numbers = #tpu.dot_dimension_numbers<[1], [0], [0], [1], [0, 0, 1, 1], [], []>, transpose_lhs_hint = false} : vector<2048x1024xf32>, vector<1024x2xf32>, vector<2048x2xf32> -> vector<2048x2xf32>
    %slice3A = vector.extract_strided_slice %dot_general3A_14 {offsets = [0, 0], sizes = [2048, 1], strides = [1, 1]} : vector<2048x2xf32> to vector<2048x1xf32>
    %squeeze3A = vector.shape_cast %slice3A : vector<2048x1xf32> to vector<2048xf32>
    %reshape3A_15 = vector.shape_cast %squeeze3A : vector<2048xf32> to vector<1x2048xf32>
    %slice3A_16 = vector.extract_strided_slice %dot_general3A_14 {offsets = [0, 1], sizes = [2048, 1], strides = [1, 1]} : vector<2048x2xf32> to vector<2048x1xf32>
    %squeeze3A_17 = vector.shape_cast %slice3A_16 : vector<2048x1xf32> to vector<2048xf32>
    %reshape3A_18 = vector.shape_cast %squeeze3A_17 : vector<2048xf32> to vector<1x2048xf32>
    %get3A_19 = arith.constant 0 : index
    %get3A_20 = arith.constant 0 : index
    %get3A_21 = arith.constant 0 : index
    %get3A_22 = vector.load %arg1[%get3A_19, %get3A_20, %get3A_21] : memref<1x2048x1024xf32, #tpu.memory_space<vmem>>, vector<1x2048x1024xf32>
    %reshape3A_23 = vector.shape_cast %get3A_22 : vector<1x2048x1024xf32> to vector<2048x1024xf32>
    %gt3A_24 = arith.constant 0.000000e+00 : f32
    %gt3A_25 = vector.broadcast %gt3A_24 : f32 to vector<2048x1024xf32>
    %gt3A_26 = arith.cmpf ogt, %reshape3A_23, %gt3A_25 : vector<2048x1024xf32>
    %convert_element_type3A_27 = arith.extui %gt3A_26 : vector<2048x1024xi1> to vector<2048x1024xi32>
    %convert_element_type3A_28 = arith.sitofp %convert_element_type3A_27 : vector<2048x1024xi32> to vector<2048x1024xf32>
    %dot_general3A_29 = arith.constant dense<0.000000e+00> : vector<2048x2xf32>
    %dot_general3A_30 = tpu.matmul %convert_element_type3A_28, %dot_general3A_5, %dot_general3A_29 {dimension_numbers = #tpu.dot_dimension_numbers<[1], [0], [0], [1], [0, 0, 1, 1], [], []>, transpose_lhs_hint = false} : vector<2048x1024xf32>, vector<1024x2xf32>, vector<2048x2xf32> -> vector<2048x2xf32>
    %get3A_31 = arith.constant 0 : index
    %get3A_32 = arith.constant 0 : index
    %get3A_33 = vector.load %arg5[%get3A_31, %get3A_32] : memref<2048x272xbf16, #tpu.memory_space<vmem>>, vector<2048x272xbf16>
    %slice3A_34 = vector.extract_strided_slice %dot_general3A_30 {offsets = [0, 0], sizes = [1024, 1], strides = [1, 1]} : vector<2048x2xf32> to vector<1024x1xf32>
    %slice3A_35 = vector.extract_strided_slice %dot_general3A_30 {offsets = [0, 1], sizes = [1024, 1], strides = [1, 1]} : vector<2048x2xf32> to vector<1024x1xf32>
    %eq3A = vector.broadcast %slice3A_34 : vector<1024x1xf32> to vector<1024x2048xf32>
    %eq3A_36 = vector.broadcast %reshape3A_15 : vector<1x2048xf32> to vector<1024x2048xf32>
    %eq3A_37 = arith.cmpf oeq, %eq3A, %eq3A_36 : vector<1024x2048xf32>
    %eq3A_38 = vector.broadcast %slice3A_35 : vector<1024x1xf32> to vector<1024x2048xf32>
    %eq3A_39 = vector.broadcast %reshape3A_18 : vector<1x2048xf32> to vector<1024x2048xf32>
    %eq3A_40 = arith.cmpf oeq, %eq3A_38, %eq3A_39 : vector<1024x2048xf32>
    %and3A = arith.andi %eq3A_37, %eq3A_40 : vector<1024x2048xi1>
    %convert_element_type3A_41 = arith.extui %and3A : vector<1024x2048xi1> to vector<1024x2048xi32>
    %convert_element_type3A_42 = arith.sitofp %convert_element_type3A_41 : vector<1024x2048xi32> to vector<1024x2048xf32>
    %convert_element_type3A_43 = arith.truncf %convert_element_type3A_42 : vector<1024x2048xf32> to vector<1024x2048xbf16>
    %dot_general3A_44 = arith.constant dense<0.000000e+00> : vector<1024x272xf32>
    %dot_general3A_45 = tpu.matmul %convert_element_type3A_43, %get3A_33, %dot_general3A_44 {dimension_numbers = #tpu.dot_dimension_numbers<[1], [0], [0], [1], [0, 0, 1, 1], [], []>, transpose_lhs_hint = false} : vector<1024x2048xbf16>, vector<2048x272xbf16>, vector<1024x272xf32> -> vector<1024x272xf32>
    %slice3A_46 = vector.extract_strided_slice %dot_general3A_45 {offsets = [0, 0], sizes = [1024, 64], strides = [1, 1]} : vector<1024x272xf32> to vector<1024x64xf32>
    %convert_element_type3A_47 = arith.fptosi %slice3A_46 : vector<1024x64xf32> to vector<1024x64xi32>
    %slice3A_48 = vector.extract_strided_slice %dot_general3A_45 {offsets = [0, 128], sizes = [1024, 64], strides = [1, 1]} : vector<1024x272xf32> to vector<1024x64xf32>
    %convert_element_type3A_49 = arith.fptosi %slice3A_48 : vector<1024x64xf32> to vector<1024x64xi32>
    %shift_left3A = arith.constant 16 : i32
    %shift_left3A_50 = vector.broadcast %shift_left3A : i32 to vector<1024x64xi32>
    %shift_left3A_51 = arith.shli %convert_element_type3A_49, %shift_left3A_50 : vector<1024x64xi32>
    %or3A = arith.ori %convert_element_type3A_47, %shift_left3A_51 : vector<1024x64xi32>
    %swap3A = arith.constant 0 : index
    %swap3A_52 = arith.constant 0 : index
    %swap3A_53 = vector.load %arg6[%swap3A, %swap3A_52] : memref<2048x64xi32, #tpu.memory_space<vmem>>, vector<1024x64xi32>
    tpu.vector_store %arg6[%swap3A, %swap3A_52], %or3A {strides = array<i32>} : memref<2048x64xi32, #tpu.memory_space<vmem>>, vector<1024x64xi32>,
    %slice3A_54 = vector.extract_strided_slice %dot_general3A_45 {offsets = [0, 256], sizes = [1024, 1], strides = [1, 1]} : vector<1024x272xf32> to vector<1024x1xf32>
    %squeeze3A_55 = vector.shape_cast %slice3A_54 : vector<1024x1xf32> to vector<1024xf32>
    %convert_element_type3A_56 = arith.fptosi %squeeze3A_55 : vector<1024xf32> to vector<1024xi32>
    %reshape3A_57 = vector.shape_cast %convert_element_type3A_56 : vector<1024xi32> to vector<8x128xi32>
    %swap3A_58 = arith.constant 0 : index
    %swap3A_59 = arith.constant 0 : index
    %swap3A_60 = vector.load %arg7[%swap3A_58, %swap3A_59] : memref<16x128xi32, #tpu.memory_space<vmem>>, vector<8x128xi32>
    tpu.vector_store %arg7[%swap3A_58, %swap3A_59], %reshape3A_57 {strides = array<i32>} : memref<16x128xi32, #tpu.memory_space<vmem>>, vector<8x128xi32>,
    %slice3A_61 = vector.extract_strided_slice %dot_general3A_30 {offsets = [1024, 0], sizes = [1024, 1], strides = [1, 1]} : vector<2048x2xf32> to vector<1024x1xf32>
    %slice3A_62 = vector.extract_strided_slice %dot_general3A_30 {offsets = [1024, 1], sizes = [1024, 1], strides = [1, 1]} : vector<2048x2xf32> to vector<1024x1xf32>
    %eq3A_63 = vector.broadcast %slice3A_61 : vector<1024x1xf32> to vector<1024x2048xf32>
    %eq3A_64 = vector.broadcast %reshape3A_15 : vector<1x2048xf32> to vector<1024x2048xf32>
    %eq3A_65 = arith.cmpf oeq, %eq3A_63, %eq3A_64 : vector<1024x2048xf32>
    %eq3A_66 = vector.broadcast %slice3A_62 : vector<1024x1xf32> to vector<1024x2048xf32>
    %eq3A_67 = vector.broadcast %reshape3A_18 : vector<1x2048xf32> to vector<1024x2048xf32>
    %eq3A_68 = arith.cmpf oeq, %eq3A_66, %eq3A_67 : vector<1024x2048xf32>
    %and3A_69 = arith.andi %eq3A_65, %eq3A_68 : vector<1024x2048xi1>
    %convert_element_type3A_70 = arith.extui %and3A_69 : vector<1024x2048xi1> to vector<1024x2048xi32>
    %convert_element_type3A_71 = arith.sitofp %convert_element_type3A_70 : vector<1024x2048xi32> to vector<1024x2048xf32>
    %convert_element_type3A_72 = arith.truncf %convert_element_type3A_71 : vector<1024x2048xf32> to vector<1024x2048xbf16>
    %dot_general3A_73 = arith.constant dense<0.000000e+00> : vector<1024x272xf32>
    %dot_general3A_74 = tpu.matmul %convert_element_type3A_72, %get3A_33, %dot_general3A_73 {dimension_numbers = #tpu.dot_dimension_numbers<[1], [0], [0], [1], [0, 0, 1, 1], [], []>, transpose_lhs_hint = false} : vector<1024x2048xbf16>, vector<2048x272xbf16>, vector<1024x272xf32> -> vector<1024x272xf32>
    %slice3A_75 = vector.extract_strided_slice %dot_general3A_74 {offsets = [0, 0], sizes = [1024, 64], strides = [1, 1]} : vector<1024x272xf32> to vector<1024x64xf32>
    %convert_element_type3A_76 = arith.fptosi %slice3A_75 : vector<1024x64xf32> to vector<1024x64xi32>
    %slice3A_77 = vector.extract_strided_slice %dot_general3A_74 {offsets = [0, 128], sizes = [1024, 64], strides = [1, 1]} : vector<1024x272xf32> to vector<1024x64xf32>
    %convert_element_type3A_78 = arith.fptosi %slice3A_77 : vector<1024x64xf32> to vector<1024x64xi32>
    %shift_left3A_79 = arith.constant 16 : i32
    %shift_left3A_80 = vector.broadcast %shift_left3A_79 : i32 to vector<1024x64xi32>
    %shift_left3A_81 = arith.shli %convert_element_type3A_78, %shift_left3A_80 : vector<1024x64xi32>
    %or3A_82 = arith.ori %convert_element_type3A_76, %shift_left3A_81 : vector<1024x64xi32>
    %swap3A_83 = arith.constant 1024 : index
    %swap3A_84 = arith.constant 0 : index
    %swap3A_85 = vector.load %arg6[%swap3A_83, %swap3A_84] : memref<2048x64xi32, #tpu.memory_space<vmem>>, vector<1024x64xi32>
    tpu.vector_store %arg6[%swap3A_83, %swap3A_84], %or3A_82 {strides = array<i32>} : memref<2048x64xi32, #tpu.memory_space<vmem>>, vector<1024x64xi32>,
    %slice3A_86 = vector.extract_strided_slice %dot_general3A_74 {offsets = [0, 256], sizes = [1024, 1], strides = [1, 1]} : vector<1024x272xf32> to vector<1024x1xf32>
    %squeeze3A_87 = vector.shape_cast %slice3A_86 : vector<1024x1xf32> to vector<1024xf32>
    %convert_element_type3A_88 = arith.fptosi %squeeze3A_87 : vector<1024xf32> to vector<1024xi32>
    %reshape3A_89 = vector.shape_cast %convert_element_type3A_88 : vector<1024xi32> to vector<8x128xi32>
    %swap3A_90 = arith.constant 8 : index
    %swap3A_91 = arith.constant 0 : index
    %swap3A_92 = vector.load %arg7[%swap3A_90, %swap3A_91] : memref<16x128xi32, #tpu.memory_space<vmem>>, vector<8x128xi32>
    tpu.vector_store %arg7[%swap3A_90, %swap3A_91], %reshape3A_89 {strides = array<i32>} : memref<16x128xi32, #tpu.memory_space<vmem>>, vector<8x128xi32>,
    return
  }
  func.func @transform_0(%arg0: i32) -> (i32, i32, i32) {
    %c0_i32 = arith.constant 0 : i32
    %c0_i32_0 = arith.constant 0 : i32
    %c0_i32_1 = arith.constant 0 : i32
    return %arg0, %c0_i32, %c0_i32_0 : i32, i32, i32
  }
  func.func @transform_1(%arg0: i32) -> (i32, i32, i32) {
    %c0_i32 = arith.constant 0 : i32
    %c0_i32_0 = arith.constant 0 : i32
    %c0_i32_1 = arith.constant 0 : i32
    return %arg0, %c0_i32, %c0_i32_0 : i32, i32, i32
  }
  func.func @transform_2(%arg0: i32) -> (i32, i32) {
    %c0_i32 = arith.constant 0 : i32
    %c0_i32_0 = arith.constant 0 : i32
    %c0_i32_1 = arith.constant 0 : i32
    return %c0_i32, %c0_i32_0 : i32, i32
  }
  func.func @transform_3(%arg0: i32) -> (i32, i32) {
    %c0_i32 = arith.constant 0 : i32
    %c0_i32_0 = arith.constant 0 : i32
    %c0_i32_1 = arith.constant 0 : i32
    return %c0_i32, %c0_i32_0 : i32, i32
  }
  func.func @transform_4(%arg0: i32) -> (i32, i32) {
    %c0_i32 = arith.constant 0 : i32
    %c0_i32_0 = arith.constant 0 : i32
    %c0_i32_1 = arith.constant 0 : i32
    return %c0_i32, %c0_i32_0 : i32, i32
  }
  func.func @transform_5(%arg0: i32) -> (i32, i32) {
    %c0_i32 = arith.constant 0 : i32
    %c0_i32_0 = arith.constant 0 : i32
    return %arg0, %c0_i32 : i32, i32
  }
  func.func @transform_6(%arg0: i32) -> (i32, i32) {
    %c0_i32 = arith.constant 0 : i32
    %c0_i32_0 = arith.constant 0 : i32
    return %arg0, %c0_i32 : i32, i32
  }
}

</mosaic_0001>

<sc_bundles>
// kernel: kernel.4.cloned.1.call-start
scs
__scs_entry_jumppad:
0x0: {  	(pc) =	sbr.rel $0x88, $3  }
0x1: {  	(tag) =	ssettag $0x0;
	lr =	simm.s32 $0x1  }
0x2: {  	[smem:$0x3F9E] =	sst lr;
	_ =	strace $0xD0000000  }
0x3: {  	_ = 	snop  }
0x4: {  	_ = 	snop  }
0x5: {  	_ = 	snop  }
0x6: {  	_ = 	snop  }
0x7: {  	_ = 	snop  }
__scs_overlays_trampoline_lowered:
0x8: {  	[smem:$0x3FAD] =	sst s0  }
0x9: {  	[smem:$0x3FAE] =	sst s1  }
0xa: {  	[smem:$0x3FAF] =	sst s2  }
0xb: {  	[smem:$0x3FB0] =	sst s3  }
0xc: {  	[smem:$0x3FB1] =	sst s4  }
0xd: {  	[smem:$0x3FB2] =	sst s5  }
0xe: {  	[smem:$0x3FB3] =	sst s6  }
0xf: {  	[smem:$0x3FB4] =	sst s7  }
0x10: {  	[smem:$0x3FB5] =	sst s8  }
0x11: {  	[smem:$0x3FB6] =	sst s9;
	s0 =	simm.s32 @!p0 $0x0  }
0x12: {  	s1 =	sld [smem:$0x3F9C];
	s0 =	simm.s32 @p0 $0x1  }
0x13: {  	[smem:$0x3FB7] =	sst s0;
	s0 =	simm.s32 @!p1 $0x0  }
0x14: {  	s2 =	sld [smem:$0x3F9B];
	s0 =	simm.s32 @p1 $0x1  }
0x15: {  	[smem:$0x3FB8] =	sst s0;
	s0 =	simm.s32 @!p2 $0x0  }
0x16: {  	s3 =	sld [smem:$0x3FDB];
	s0 =	simm.s32 @p2 $0x1  }
0x17: {  	s4 =	simm.s32 $0x1BF5;
	[smem:$0x3FBA] =	sst s0  }
0x18: {  	s0 =	sld [smem:$0x3F9D];
	_ =	swait.ge [sflag:s4], $0x0  }
0x19: {  	s7 =	sld [smem:$0x3F9E]  }
0x1a: {  	s8 =	sadd.s32 $0xFFFFE003, lr  }
0x1b: {  	s9 =	sadd.s32 $0xFFFFFEF7, lr;
	s5 =	simm.s32 $0xFFFFFFFF;
	p2 =	slt.u32 s8, $0xFFFFF086  }
0x1c: {  	p1 =	slt.u32 s9, $0xF7A;
	s5 =	simm.s32 @!p2 $0x0  }
0x1d: {  	s5 =	simm.s32 @p1 $0x1;
	p0 =	seq.s32 s7, s2  }
0x1e: {  	s7 =	smul.u32 @!p0 $0xF7A, s2;
	p2 =	seq.s32 @!p0 s5, $0x0  }
0x1f: {  	s9 =	smul.u32 $0xF7A, s1;
	s8 =	simm.s32 @!p0 $0x1BF5;
	p2 =	por !p2, p0  }
0x20: {  	[sflag:s8] =	ssyncset.s32 @!p0 $0xFFFFF086;
	s6 =	sadd.s32 @!p0 s3, s7;
	s7 =	simm.s32 @!p0 $0x108  }
0x21: {  	s3 =	sadd.s32 s3, s9;
	s6 =	sadd.s32 @!p0 $0x88, s6;
	s7 =	simm.s32 @p2 $0x1082  }
0x22: {  	[simem:s7], [sflag:s8] =	dma.local @!p0 [hbm:s6], $0xF7A  }
0x23: {  	s9 =	sor.u32 $0xD0000000, s2;
	s6 =	simm.s32 $0x108;
	_ =	swait.ge @!p0 [sflag:s8], $0x0  }
0x24: {  	s3 =	sadd.s32 $0x88, s3;
	s6 =	simm.s32 @!p1 $0x1082;
	[sflag:s4] =	ssyncset.s32 $0xFFFFF086  }
0x25: {  	[simem:s6], [sflag:s4] =	dma.local [hbm:s3], $0xF7A  }
0x26: {  	[smem:$0x3F9E] =	sst s1;
	(tag) =	ssettag s2;
	_ =	strace s9  }
0x27: {  	s1 =	sld [smem:$0x3FAE]  }
0x28: {  	s2 =	sld [smem:$0x3FAF]  }
0x29: {  	s4 =	sld [smem:$0x3FB1]  }
0x2a: {  	p0 =	seq.s32 s5, $0x0;
	s5 =	sld [smem:$0x3FB2]  }
0x2b: {  	s6 =	sld [smem:$0x3FB3]  }
0x2c: {  	s7 =	sld [smem:$0x3FB4]  }
0x2d: {  	s3 =	simm.s32 $0x108;
	s8 =	sld [smem:$0x3FB5]  }
0x2e: {  	s3 =	simm.s32 @!p0 $0x1082;
	s9 =	sld [smem:$0x3FB6]  }
0x2f: {  	lr =	sadd.s32 s0, s3;
	s0 =	sld [smem:$0x3FAD]  }
0x30: {  	s3 =	sld [smem:$0x3FB0]  }
0x31: {  	[smem:$0x3FB9] =	sst s10  }
0x32: {  	s10 =	sld [smem:$0x3FB7];
	_ =	sdelay $0x3  }
0x33: {  	p0 =	seq.s32 s10, $0x1;
	s10 =	sld [smem:$0x3FB9];
	_ =	sdelay $0x3  }
0x34: {  	[smem:$0x3FB9] =	sst s10  }
0x35: {  	s10 =	sld [smem:$0x3FB8];
	_ =	sdelay $0x3  }
0x36: {  	p1 =	seq.s32 s10, $0x1;
	s10 =	sld [smem:$0x3FB9];
	_ =	sdelay $0x3  }
0x37: {  	[smem:$0x3FB9] =	sst s10  }
0x38: {  	s10 =	sld [smem:$0x3FBA]  }
0x39: {  	_ = 	snop;
	(pc) =	sbr.ind lr, $3  }
0x3a: {  	_ = 	snop  }
0x3b: {  	_ = 	snop  }
0x3c: {  	p2 =	seq.s32 s10, $0x1;
	s10 =	sld [smem:$0x3FB9]  }
0x3d: {  	_ =	shalt  }
0x3e: {  	_ =	shalt  }
0x3f: {  	_ =	shalt  }
0x40: {  	_ =	shalt  }
0x41: {  	_ =	shalt  }
0x42: {  	_ =	shalt  }
0x43: {  	_ =	shalt  }
0x44: {  	_ =	shalt  }
0x45: {  	_ =	shalt  }
0x46: {  	_ =	shalt  }
0x47: {  	_ =	shalt  }
0x48: {  	_ =	shalt  }
0x49: {  	_ =	shalt  }
0x4a: {  	_ =	shalt  }
0x4b: {  	_ =	shalt  }
0x4c: {  	_ =	shalt  }
0x4d: {  	_ =	shalt  }
0x4e: {  	_ =	shalt  }
0x4f: {  	_ =	shalt  }
0x50: {  	_ =	shalt  }
0x51: {  	_ =	shalt  }
0x52: {  	_ =	shalt  }
0x53: {  	_ =	shalt  }
0x54: {  	_ =	shalt  }
0x55: {  	_ =	shalt  }
0x56: {  	_ =	shalt  }
0x57: {  	_ =	shalt  }
0x58: {  	_ =	shalt  }
0x59: {  	_ =	shalt  }
0x5a: {  	_ =	shalt  }
0x5b: {  	_ =	shalt  }
0x5c: {  	_ =	shalt  }
0x5d: {  	_ =	shalt  }
0x5e: {  	_ =	shalt  }
0x5f: {  	_ =	shalt  }
0x60: {  	_ =	shalt  }
0x61: {  	_ =	shalt  }
0x62: {  	_ =	shalt  }
0x63: {  	_ =	shalt  }
0x64: {  	_ =	shalt  }
0x65: {  	_ =	shalt  }
0x66: {  	_ =	shalt  }
0x67: {  	_ =	shalt  }
0x68: {  	_ =	shalt  }
0x69: {  	_ =	shalt  }
0x6a: {  	_ =	shalt  }
0x6b: {  	_ =	shalt  }
0x6c: {  	_ =	shalt  }
0x6d: {  	_ =	shalt  }
0x6e: {  	_ =	shalt  }
0x6f: {  	_ =	shalt  }
0x70: {  	_ =	shalt  }
0x71: {  	_ =	shalt  }
0x72: {  	_ =	shalt  }
0x73: {  	_ =	shalt  }
0x74: {  	_ =	shalt  }
0x75: {  	_ =	shalt  }
0x76: {  	_ =	shalt  }
0x77: {  	_ =	shalt  }
0x78: {  	_ =	shalt  }
0x79: {  	_ =	shalt  }
0x7a: {  	_ =	shalt  }
0x7b: {  	_ =	shalt  }
0x7c: {  	_ =	shalt  }
0x7d: {  	_ =	shalt  }
0x7e: {  	_ =	shalt  }
0x7f: {  	_ =	shalt  }
0x80: {  	_ =	shalt  }
0x81: {  	_ =	shalt  }
0x82: {  	_ =	shalt  }
0x83: {  	_ =	shalt  }
0x84: {  	_ =	shalt  }
0x85: {  	_ =	shalt  }
0x86: {  	_ =	shalt  }
0x87: {  	_ =	shalt  }
.Lfunc_end0:
.L_simem_size_0:
called_computation_lowered:
.L_overlay_start_0:
0x88: {  	s2 =	sld [smem:$0x3FD9]  }
0x89: {  	s3 =	sld [smem:$0x3FFE];
	_ =	sdelay $0x1  }
0x8a: {  	s1 =	srdreg.scid  }
0x8b: {  	s0 =	sand.u32 $0x1, s1  }
0x8c: {  	s17 =	sshll.u32 s0, $0xA;
	s2 =	sadd.s32 s3, s2  }
0x8d: {  	s2 =	sadd.s32 s2, s17  }
0x8e: {  	[smem:$0x3FC5] =	sst s2  }
0x8f: {  	_ = 	snop  }
0x90: {  	s2 =	sld [smem:$0x3FD0];
	(tm) =	ssettm $0x1  }
0x91: {  	s18 =	sld [smem:$0x3FFB];
	_ =	sdelay $0x3  }
0x92: {  	_ =	strace s18  }
0x93: {  	s3 =	sld [smem:$0x3FFC];
	_ =	sdelay $0x3  }
0x94: {  	_ =	strace s3  }
0x95: {  	s3 =	sld [smem:$0x3FFD];
	_ =	sdelay $0x3  }
0x96: {  	_ =	strace s3  }
0x97: {  	_ =	strace $0x8FFFFFFF  }
0x98: {  	s19 =	sld [smem:$0x3FDB];
	_ =	sdelay $0x1  }
0x99: {  	s4 =	simm.s32 $_scs_section_size  }
0x9a: {  	s5 =	simm.s32 $_size__tile_overlayer_lowered;
	s6 =	simm.s32 $_tile_overlayer_lowered  }
0x9b: {  	s22 =	simm.s32 $0x1BFF;
	s21 =	sshll.u32 s6, $0x1;
	s3 =	sadd.s32 s4, s19  }
0x9c: {  	s7 =	simm.s32 $0x0;
	s20 =	sshll.u32 s5, $0x1;
	s5 =	sadd.s32 s21, s3  }
0x9d: {  	[timem:s7], [sflag:s22] =	dma.local [hbm:s5], s20  }
0x9e: {  	_ =	swait.ge [sflag:s22], s20  }
0x9f: {  	s4 =	ssub.s32 $0x0, s20;
	[sflag:s22] =	ssyncset.done $0x0  }
0xa0: {  	[sflag:s22] =	ssyncadd.s32 s4;
	_ =	sdelay $0x1  }
0xa1: {  	s23 =	simm.s32 $0x1B8B  }
0xa2: {  	_ =	swait.ge [sflag:s23], $0x1  }
0xa3: {  	[sflag:s23] =	ssyncset.done $0x0  }
0xa4: {  	s25 =	simm.s32 $0x1B8E;
	s24 =	sld [smem:$0x3FFE];
	[sflag:s23] =	ssyncadd.s32 $0xFFFFFFFF  }
0xa5: {  	s26 =	simm.s32 $execute0_lowered;
	[smem:$0x3FD2] =	sst s25  }
0xa6: {  	s5 =	sshll.u32 s26, $0x1;
	_ =	strace $0x80000046;
	[dreg:$0x1] =	wrdreg $0xFFFFFFFF  }
0xa7: {  	s28 =	simm.s32 $_size_execute0_lowered;
	s3 =	sadd.s32 s3, s5;
	[dreg:$0x0] =	wrdreg $0x0  }
0xa8: {  	s5 =	sshll.u32 s28, $0x1;
	[dreg:$0x2] =	wrdreg s3  }
0xa9: {  	[dreg:$0x3] =	wrdreg s5  }
0xaa: {  	[dreg:$0x4] =	wrdreg $0xC0  }
0xab: {  	_ =	task [dreg:s7], $0x5FFFF  }
0xac: {  	[dreg:$0x1] =	wrdreg $0xFFFFFFFF  }
0xad: {  	[dreg:$0x0] =	wrdreg $0x60  }
0xae: {  	[dreg:$0x2] =	wrdreg s24  }
0xaf: {  	[dreg:$0x3] =	wrdreg s2  }
0xb0: {  	[dreg:$0x4] =	wrdreg $0x9  }
0xb1: {  	_ =	task.clear_ibuf [dreg:s7], $0x5FFFF;
	_ =	strace $0x90000046  }
0xb2: {  	s29 =	simm.s32 $0x9;
	_ =	strace $0x80000048  }
0xb3: {  	_ =	swait.ge [sflag:s29], $0x1  }
0xb4: {  	[sflag:s29] =	ssyncadd.s32 $0xFFFFFFFF  }
0xb5: {  	_ =	strace $0x90000048  }
0xb6: {  	_ =	sfence  }
0xb7: {  	s30 =	sld [smem:$0x0];
	_ =	sdelay $0x2  }
0xb8: {  	s31 =	sshll.u32 s1, $0xD;
	s1 =	sshrl.u32 s1, $0x2  }
0xb9: {  	s3 =	sand.u32 $0x4000, s31;
	s1 =	sadd.s32 s1, s30  }
0xba: {  	s0 =	sor.u32 s3, s0;
	s1 =	sshll.u32 s1, $0x11  }
0xbb: {  	s0 =	sor.u32 s1, s0  }
0xbc: {  	s0 =	sadd.s32 $0x8F2B, s0  }
0xbd: {  	[sflag:s0] =	ssyncadd.remote.s32 $0x1  }
0xbe: {  	_ =	sfence.sel $0xFFFF  }
0xbf: {  	[dreg:$0x0] =	wrdreg $0xFFFFFFFF;
	(pc) =	sbr.abs _section_cstart, $3  }
0xc0: {  	[dreg:$0x1] =	wrdreg $0xFFFFFFFF  }
0xc1: {  	_ =	task.clear_ibuf [dreg:s7], $0x2FFFF;
	_ =	strace $0x9FFFFFFF  }
0xc2: {  	(tm) =	ssettm $0x7FFFFFFF  }
0xc3: {  	_ =	shalt  }
tec
execute0_lowered:
.L_overlay_start_1:
0x0: {  	(tag) =	ssettag $0x1  }
0x1: {  	s0 =	rddreg [dreg:$0x0]  }
0x2: {  	s1 =	rddreg [dreg:$0x1];
	s2 =	srdreg.scid;
	s8 =	simm.s32 $0x0  }
0x3: {  	s29 =	stileid.u32;
	s9 =	simm.s32 $0x2;
	s3 =	sand.u32 $0x1, s2  }
0x4: {  	s11 =	simm.s32 $0x0;
	[smem:$0x7FF] =	sst s8;
	s4 =	sshll.u32 s3, $0x4  }
0x5: {  	_ =	strace $0x80000047;
	s3 =	ssub.s32 $0x2, s3;
	s4 =	sor.u32 s29, s4  }
.Ltmp0:
0x6: {  	s5 =	sshll.u32 s4, $0xA;
	s6 =	sshll.u32 s4, $0x4;
	(pc) =	sbr.rel .LBB2_1-.Ltmp0, $4  }
0x7: {  	s7 =	sshrl.u32 s3, $0x1;
	s5 =	sadd.s32 s5, s0;
	s0 =	sadd.s32 s6, s0  }
0x8: {  	s30 =	ssub.s32 s3, s7;
	s4 =	sshll.u32 s4, $0x9;
	s0 =	sadd.s32 $0xE00, s0  }
0x9: {  	s7 =	simm.s32 $0x1;
	s31 =	sadd.s32 $0x1000, s5;
	[dreg:$0x3] =	wrdreg s0  }
0xa: {  	v0 =	vimm.s32 $0xFFFFFFFF;
	v1 =	vlaneseq.u32;
	s6 =	smax.u32 s30, $0x1;
	s5 =	sadd.s32 s1, s4;
	[dreg:$0x4] =	wrdreg s31  }
.LBB2_74:
0xb: {  	s11 =	sadd.s32 $0x1, s11  }
0xc: {  	p0 =	sne.s32 s11, s6  }
.Ltmp1:
0xd: {  	s8 =	simm.s32 $0x0;
	s0 =	simm.s32 $0x2080;
	(pc) =	sbr.rel @!p0 .LBB2_75-.Ltmp1, $4  }
0xe: {  	[hbm4b:s5+s8] =	stream.linear.scatter [tilespmem:s0], [sflag:$0x2], $0x1000, $0x38;
	[tilespmem:$0x3080] =	vst v63  }
0xf: {  	_ =	swait.ge [sflag:s9], $0x1000  }
0x10: {  	[sflag:s9] =	ssyncset.done $0x0  }
0x11: {  	[sflag:s9] =	ssyncadd.s32 $0xFFFFF000  }
.LBB2_1:
0x12: {  	s0 =	rddreg [dreg:$0x3]  }
0x13: {  	[tilespmem:s8], [sflag:$0x1] =	stream.linear.gather [hbm4b:s0+s8], $0x80, $0x38;
	[tilespmem:$0x3080] =	vst v63  }
0x14: {  	s0 =	simm.s32 $0x20C0  }
0x15: {  	[tilespmem:s0+$0xFFFFFFC0] =	vst v0  }
0x16: {  	[tilespmem:s0+$0x30] =	vst v0  }
0x17: {  	[tilespmem:s0+$0x20] =	vst v0  }
0x18: {  	[tilespmem:s0+$0x10] =	vst v0  }
0x19: {  	[tilespmem:s0+$0x0] =	vst v0  }
0x1a: {  	[tilespmem:s0+$0xFFFFFFF0] =	vst v0  }
0x1b: {  	s1 =	simm.s32 $0x0;
	[tilespmem:s0+$0xFFFFFFE0] =	vst v0  }
.LBB2_2:
0x1c: {  	s1 =	sadd.s32 $0x8, s1;
	[tilespmem:s0+$0xFFFFFFD0] =	vst v0;
	s0 =	sadd.s32 $0x80, s0  }
0x1d: {  	[tilespmem:s0+$0xFFFFFFC0] =	vst v0;
	p0 =	slt.u32 s1, $0xF8  }
0x1e: {  	[tilespmem:s0+$0x30] =	vst v0  }
.Ltmp2:
0x1f: {  	[tilespmem:s0+$0x20] =	vst v0;
	(pc) =	sbr.rel @p0 .LBB2_2-.Ltmp2, $4  }
0x20: {  	[tilespmem:s0+$0x10] =	vst v0  }
0x21: {  	[tilespmem:s0+$0x0] =	vst v0  }
0x22: {  	[tilespmem:s0+$0xFFFFFFF0] =	vst v0  }
0x23: {  	[tilespmem:s0+$0xFFFFFFE0] =	vst v0  }
0x24: {  	[tilespmem:s0+$0xFFFFFFD0] =	vst v0  }
0x25: {  	_ =	swait.ge [sflag:s7], $0x80  }
0x26: {  	[sflag:s7] =	ssyncset.done $0x0  }
0x27: {  	[sflag:s7] =	ssyncadd.s32 $0xFFFFFF80  }
0x28: {  	v2 =	vld [tilespmem:$0x0]  }
0x29: {  	v3 =	vld [tilespmem:$0x10]  }
0x2a: {  	v4 =	vld [tilespmem:$0x20]  }
0x2b: {  	v5 =	vld [tilespmem:$0x30]  }
0x2c: {  	v6 =	vld [tilespmem:$0x40]  }
0x2d: {  	v7 =	vld [tilespmem:$0x50]  }
0x2e: {  	v2 =	vor.u32 v2, v3;
	v3 =	vld [tilespmem:$0x60]  }
0x2f: {  	v63 =	vld [tilespmem:$0x70];
	v2 =	vor.u32 v4, v2  }
0x30: {  	v2 =	vor.u32 v5, v2  }
0x31: {  	v2 =	vor.u32 v6, v2  }
0x32: {  	v2 =	vor.u32 v7, v2  }
0x33: {  	v2 =	vor.u32 v3, v2  }
0x34: {  	v2 =	vor.u32 v63, v2  }
0x35: {  	vm0 =	vne.s32 v2, $0x0  }
0x36: {  	v2 =	vmpcnt.ones.xlane vm0;
	_ =	sdelay $0x1  }
0x37: {  	(v2sf) =	vpush v2, $0x0;
	_ =	sdelay $0xe  }
0x38: {  	s31 =	spop (v2sf)  }
0x39: {  	p0 =	slt.s32 s31, $0x1  }
.Ltmp3:
0x3a: {  	_ = 	snop;
	(pc) =	sbr.rel @p0 .LBB2_74-.Ltmp3, $1  }
0x3b: {  	_ =	sdelay $0x3  }
0x3c: {  	s12 =	simm.s32 $0x0  }
.Ltmp4:
0x3d: {  	s0 =	rddreg [dreg:$0x4];
	s1 =	simm.s32 $0x80;
	(pc) =	sbr.rel .LBB2_5-.Ltmp4, $4  }
0x3e: {  	[tilespmem:s1], [sflag:$0x2] =	stream.linear.gather [hbm4b:s0+s12], $0x2000, $0x38;
	[tilespmem:$0x3080] =	vst v63  }
0x3f: {  	_ =	swait.ge [sflag:s9], $0x2000  }
0x40: {  	[sflag:s9] =	ssyncset.done $0x0  }
0x41: {  	[sflag:s9] =	ssyncadd.s32 $0xFFFFE000  }
.LBB2_73:
0x42: {  	s12 =	sadd.s32 $0x1, s12  }
0x43: {  	p0 =	sne.s32 s12, $0x80  }
.Ltmp5:
0x44: {  	_ = 	snop;
	(pc) =	sbr.rel @!p0 .LBB2_74-.Ltmp5, $1  }
0x45: {  	_ =	sdelay $0x3  }
.LBB2_5:
0x46: {  	s0 =	sand.u32 $0x70, s12  }
0x47: {  	v2 =	vld [tilespmem:s0+$0x0];
	_ =	sdelay $0x2  }
0x48: {  	s30 =	sand.u32 $0xF, s12  }
0x49: {  	v3 =	vmov s30  }
0x4a: {  	vm1 =	veq.s32 v3, v1;
	vm0 =	vne.s32 v2, $0x0  }
0x4b: {  	vm0 =	vmand vm1, vm0  }
0x4c: {  	v2 =	vmpcnt.ones.xlane vm0;
	_ =	sdelay $0x1  }
0x4d: {  	(v2sf) =	vpush v2, $0x0;
	_ =	sdelay $0xe  }
0x4e: {  	s31 =	spop (v2sf)  }
0x4f: {  	p0 =	slt.s32 s31, $0x1  }
.Ltmp6:
0x50: {  	_ = 	snop;
	(pc) =	sbr.rel @p0 .LBB2_73-.Ltmp6, $1  }
0x51: {  	_ =	sdelay $0x3  }
0x52: {  	s0 =	sshll.u32 s12, $0x6;
	s13 =	sshll.u32 s12, $0x5  }
0x53: {  	s14 =	simm.s32 $0x0;
	s15 =	simm.s32 $0x20;
	s16 =	simm.s32 $0x40  }
0x54: {  	s17 =	simm.s32 $0x60;
	s18 =	simm.s32 $0x80;
	s19 =	simm.s32 $0xA0  }
.Ltmp7:
0x55: {  	s20 =	simm.s32 $0xC0;
	s21 =	simm.s32 $0xE0;
	(pc) =	sbr.rel .LBB2_7-.Ltmp7, $4  }
0x56: {  	s22 =	simm.s32 $0x100;
	s23 =	simm.s32 $0x120;
	s24 =	simm.s32 $0x140  }
0x57: {  	s25 =	simm.s32 $0x160;
	s26 =	simm.s32 $0x180;
	s0 =	sand.u32 $0x3FFFFFC0, s0  }
0x58: {  	s28 =	simm.s32 $0x1A0;
	s29 =	simm.s32 $0x1C0;
	s0 =	sadd.s32 $0x80, s0  }
0x59: {  	s30 =	simm.s32 $0x1E0;
	s31 =	simm.s32 $0x0;
	v2 =	vmov s0;
	s0 =	simm.s32 $0x0  }
.LBB2_72:
0x5a: {  	s31 =	sadd.s32 $0x1, s31  }
0x5b: {  	s14 =	sadd.s32 $0x200, s14;
	s15 =	sadd.s32 $0x200, s15;
	p0 =	sne.s32 s31, $0x4  }
.Ltmp8:
0x5c: {  	s16 =	sadd.s32 $0x200, s16;
	s17 =	sadd.s32 $0x200, s17;
	(pc) =	sbr.rel @!p0 .LBB2_73-.Ltmp8, $4  }
0x5d: {  	s18 =	sadd.s32 $0x200, s18;
	s19 =	sadd.s32 $0x200, s19;
	s20 =	sadd.s32 $0x200, s20  }
0x5e: {  	s21 =	sadd.s32 $0x200, s21;
	s22 =	sadd.s32 $0x200, s22;
	s23 =	sadd.s32 $0x200, s23  }
0x5f: {  	s24 =	sadd.s32 $0x200, s24;
	s25 =	sadd.s32 $0x200, s25;
	s26 =	sadd.s32 $0x200, s26  }
0x60: {  	s28 =	sadd.s32 $0x200, s28;
	s29 =	sadd.s32 $0x200, s29;
	s30 =	sadd.s32 $0x200, s30  }
.LBB2_7:
0x61: {  	_ =	sdelay $0x1  }
0x62: {  	s1 =	sshll.u32 s31, $0x4  }
0x63: {  	s1 =	sand.u32 $0x3FFFFFF0, s1  }
0x64: {  	v3 =	vld.idx.msk [tilespmem:v2+s1+$0x0 ss:$0x1], $0xffff;
	_ =	sdelay $0x4  }
0x65: {  	vm0 =	vne.s32 v3, $0x0  }
0x66: {  	v4 =	vmpcnt.ones.xlane vm0;
	_ =	sdelay $0x1  }
0x67: {  	(v2sf) =	vpush v4, $0x0;
	_ =	sdelay $0xe  }
0x68: {  	s10 =	spop (v2sf)  }
0x69: {  	p0 =	slt.s32 s10, $0x1  }
.Ltmp9:
0x6a: {  	_ = 	snop;
	(pc) =	sbr.rel @p0 .LBB2_72-.Ltmp9, $1  }
0x6b: {  	_ =	sdelay $0x3  }
0x6c: {  	(v2sf) =	vpush v3, $0x0;
	_ =	sdelay $0xe  }
0x6d: {  	s1 =	spop (v2sf)  }
0x6e: {  	p0 =	seq.s32 s1, $0x0  }
.Ltmp10:
0x6f: {  	_ = 	snop;
	(pc) =	sbr.rel @p0 .LBB2_12-.Ltmp10, $1  }
0x70: {  	_ =	sdelay $0x3  }
0x71: {  	s4 =	sshrl.u32 s1, $0x0  }
0x72: {  	s4 =	sand.u32 $0x1, s4  }
0x73: {  	p1 =	slt.s32 s0, $0x20;
	p0 =	seq.s32 s4, $0x1  }
0x74: {  	p0 =	por !p1, !p0  }
0x75: {  	s4 =	simm.s32 $0x1;
	p0 =	por !p0, !p0  }
0x76: {  	s8 =	sshrl.u32 s1, $0x1;
	s4 =	simm.s32 @!p0 $0x0  }
0x77: {  	s10 =	sand.u32 $0x1, s8;
	s8 =	sadd.s32 s4, s0;
	s4 =	sadd.s32 @p0 s13, s0  }
0x78: {  	v4 =	vmov @p0 s4;
	_ =	sdelay $0x1  }
0x79: {  	p6 =	seq.s32 s10, $0x1;
	p1 =	por p0, p0;
	p2 =	slt.s32 s8, $0x20  }
0x7a: {  	s10 =	simm.s32 $0x1;
	s2 =	sadd.s32 @p1 $0x0, s14;
	p2 =	por !p2, !p6  }
0x7b: {  	s0 =	simm.s32 $0x2;
	v5 =	vmov @p1 s2;
	s4 =	simm.s32 @p1 $0x2080;
	p0 =	por !p2, !p2  }
.LBB2_10:
0x7c: {  	s2 =	sadd.s32 @p0 s13, s8;
	[tilespmem:v4+s4+$0x0] =	vst.idx.msk @p1 $0x1, v5;
	s4 =	smov.u32 s0;
	s0 =	sadd.s32 $0x1, s0  }
0x7d: {  	v4 =	vmov @p0 s2;
	s2 =	simm.s32 $0x1;
	p2 =	sne.s32 s0, $0x20  }
.Ltmp11:
0x7e: {  	s3 =	sshrl.u32 s1, s4;
	s2 =	simm.s32 @!p0 $0x0;
	(pc) =	sbr.rel @p2 .LBB2_10-.Ltmp11, $4  }
0x7f: {  	s3 =	sand.u32 $0x1, s3;
	s8 =	sadd.s32 s2, s8  }
0x80: {  	p1 =	por p0, p0;
	p3 =	seq.s32 s3, $0x1;
	p4 =	slt.s32 s8, $0x20  }
0x81: {  	s2 =	sadd.s32 @p1 s10, s14;
	s10 =	smov.u32 s4;
	p0 =	por !p4, !p3  }
0x82: {  	s4 =	simm.s32 @p1 $0x2080;
	v5 =	vmov @p1 s2;
	p0 =	por !p0, !p0  }
0x83: {  	s0 =	sadd.s32 @p0 s13, s8  }
0x84: {  	v6 =	vmov @p0 s0;
	_ =	sdelay $0x1  }
0x85: {  	p2 =	por p0, p0  }
0x86: {  	s0 =	simm.s32 $0x1;
	s1 =	sadd.s32 @p2 s10, s14  }
0x87: {  	[tilespmem:v4+s4+$0x0] =	vst.idx.msk @p1 $0x1, v5;
	s0 =	simm.s32 @!p0 $0x0;
	v4 =	vmov @p2 s1;
	s1 =	simm.s32 @p2 $0x2080  }
0x88: {  	s0 =	sadd.s32 s0, s8;
	[tilespmem:v6+s1+$0x0] =	vst.idx.msk @p2 $0x1, v4  }
.LBB2_12:
0x89: {  	(v2sf) =	vpush v3, $0x1;
	_ =	sdelay $0xe  }
0x8a: {  	s1 =	spop (v2sf)  }
0x8b: {  	p0 =	seq.s32 s1, $0x0  }
.Ltmp12:
0x8c: {  	_ = 	snop;
	(pc) =	sbr.rel @p0 .LBB2_16-.Ltmp12, $1  }
0x8d: {  	_ =	sdelay $0x3  }
0x8e: {  	s2 =	sshrl.u32 s1, $0x0  }
0x8f: {  	s2 =	sand.u32 $0x1, s2  }
0x90: {  	p1 =	slt.s32 s0, $0x20;
	p0 =	seq.s32 s2, $0x1  }
0x91: {  	p0 =	por !p1, !p0  }
0x92: {  	s2 =	simm.s32 $0x1;
	p0 =	por !p0, !p0  }
0x93: {  	s2 =	simm.s32 @!p0 $0x0  }
0x94: {  	s3 =	sshrl.u32 s1, $0x1;
	s8 =	sadd.s32 s2, s0;
	s2 =	sadd.s32 @p0 s13, s0  }
0x95: {  	s3 =	sand.u32 $0x1, s3;
	v4 =	vmov @p0 s2  }
0x96: {  	p6 =	seq.s32 s3, $0x1;
	p1 =	por p0, p0;
	p2 =	slt.s32 s8, $0x20  }
0x97: {  	s10 =	simm.s32 $0x1;
	s3 =	sadd.s32 @p1 $0x0, s15;
	p2 =	por !p2, !p6  }
0x98: {  	s0 =	simm.s32 $0x2;
	s4 =	simm.s32 @p1 $0x2080;
	v5 =	vmov @p1 s3;
	p0 =	por !p2, !p2  }
.LBB2_14:
0x99: {  	s2 =	sadd.s32 @p0 s13, s8;
	s3 =	smov.u32 s0;
	s0 =	sadd.s32 $0x1, s0  }
0x9a: {  	[tilespmem:v4+s4+$0x0] =	vst.idx.msk @p1 $0x1, v5;
	v4 =	vmov @p0 s2;
	s2 =	simm.s32 $0x1;
	p2 =	sne.s32 s0, $0x20  }
.Ltmp13:
0x9b: {  	s4 =	sshrl.u32 s1, s3;
	s2 =	simm.s32 @!p0 $0x0;
	(pc) =	sbr.rel @p2 .LBB2_14-.Ltmp13, $4  }
0x9c: {  	s4 =	sand.u32 $0x1, s4;
	s8 =	sadd.s32 s2, s8  }
0x9d: {  	p1 =	por p0, p0;
	p3 =	seq.s32 s4, $0x1;
	p4 =	slt.s32 s8, $0x20  }
0x9e: {  	s2 =	sadd.s32 @p1 s10, s15;
	s10 =	smov.u32 s3;
	p0 =	por !p4, !p3  }
0x9f: {  	s4 =	simm.s32 @p1 $0x2080;
	v5 =	vmov @p1 s2;
	p0 =	por !p0, !p0  }
0xa0: {  	s0 =	sadd.s32 @p0 s13, s8  }
0xa1: {  	v6 =	vmov @p0 s0;
	_ =	sdelay $0x1  }
0xa2: {  	p2 =	por p0, p0  }
0xa3: {  	s0 =	simm.s32 $0x1;
	s1 =	sadd.s32 @p2 s10, s15  }
0xa4: {  	[tilespmem:v4+s4+$0x0] =	vst.idx.msk @p1 $0x1, v5;
	s0 =	simm.s32 @!p0 $0x0;
	v4 =	vmov @p2 s1;
	s1 =	simm.s32 @p2 $0x2080  }
0xa5: {  	s0 =	sadd.s32 s0, s8;
	[tilespmem:v6+s1+$0x0] =	vst.idx.msk @p2 $0x1, v4  }
.LBB2_16:
0xa6: {  	(v2sf) =	vpush v3, $0x2;
	_ =	sdelay $0xe  }
0xa7: {  	s1 =	spop (v2sf)  }
0xa8: {  	p0 =	seq.s32 s1, $0x0  }
.Ltmp14:
0xa9: {  	_ = 	snop;
	(pc) =	sbr.rel @p0 .LBB2_20-.Ltmp14, $1  }
0xaa: {  	_ =	sdelay $0x3  }
0xab: {  	s2 =	sshrl.u32 s1, $0x0  }
0xac: {  	s2 =	sand.u32 $0x1, s2  }
0xad: {  	p1 =	slt.s32 s0, $0x20;
	p0 =	seq.s32 s2, $0x1  }
0xae: {  	p0 =	por !p1, !p0  }
0xaf: {  	s2 =	simm.s32 $0x1;
	p0 =	por !p0, !p0  }
0xb0: {  	s2 =	simm.s32 @!p0 $0x0  }
0xb1: {  	s3 =	sshrl.u32 s1, $0x1;
	s8 =	sadd.s32 s2, s0;
	s2 =	sadd.s32 @p0 s13, s0  }
0xb2: {  	s3 =	sand.u32 $0x1, s3;
	v4 =	vmov @p0 s2  }
0xb3: {  	p6 =	seq.s32 s3, $0x1;
	p1 =	por p0, p0;
	p2 =	slt.s32 s8, $0x20  }
0xb4: {  	s10 =	simm.s32 $0x1;
	s3 =	sadd.s32 @p1 $0x0, s16;
	p2 =	por !p2, !p6  }
0xb5: {  	s0 =	simm.s32 $0x2;
	s4 =	simm.s32 @p1 $0x2080;
	v5 =	vmov @p1 s3;
	p0 =	por !p2, !p2  }
.LBB2_18:
0xb6: {  	s2 =	sadd.s32 @p0 s13, s8;
	s3 =	smov.u32 s0;
	s0 =	sadd.s32 $0x1, s0  }
0xb7: {  	[tilespmem:v4+s4+$0x0] =	vst.idx.msk @p1 $0x1, v5;
	v4 =	vmov @p0 s2;
	s2 =	simm.s32 $0x1;
	p2 =	sne.s32 s0, $0x20  }
.Ltmp15:
0xb8: {  	s4 =	sshrl.u32 s1, s3;
	s2 =	simm.s32 @!p0 $0x0;
	(pc) =	sbr.rel @p2 .LBB2_18-.Ltmp15, $4  }
0xb9: {  	s4 =	sand.u32 $0x1, s4;
	s8 =	sadd.s32 s2, s8  }
0xba: {  	p1 =	por p0, p0;
	p3 =	seq.s32 s4, $0x1;
	p4 =	slt.s32 s8, $0x20  }
0xbb: {  	s2 =	sadd.s32 @p1 s10, s16;
	s10 =	smov.u32 s3;
	p0 =	por !p4, !p3  }
0xbc: {  	s4 =	simm.s32 @p1 $0x2080;
	v5 =	vmov @p1 s2;
	p0 =	por !p0, !p0  }
0xbd: {  	s0 =	sadd.s32 @p0 s13, s8  }
0xbe: {  	v6 =	vmov @p0 s0;
	_ =	sdelay $0x1  }
0xbf: {  	p2 =	por p0, p0  }
0xc0: {  	s0 =	simm.s32 $0x1;
	s1 =	sadd.s32 @p2 s10, s16  }
0xc1: {  	[tilespmem:v4+s4+$0x0] =	vst.idx.msk @p1 $0x1, v5;
	s0 =	simm.s32 @!p0 $0x0;
	v4 =	vmov @p2 s1;
	s1 =	simm.s32 @p2 $0x2080  }
0xc2: {  	s0 =	sadd.s32 s0, s8;
	[tilespmem:v6+s1+$0x0] =	vst.idx.msk @p2 $0x1, v4  }
.LBB2_20:
0xc3: {  	(v2sf) =	vpush v3, $0x3;
	_ =	sdelay $0xe  }
0xc4: {  	s1 =	spop (v2sf)  }
0xc5: {  	p0 =	seq.s32 s1, $0x0  }
.Ltmp16:
0xc6: {  	_ = 	snop;
	(pc) =	sbr.rel @p0 .LBB2_24-.Ltmp16, $1  }
0xc7: {  	_ =	sdelay $0x3  }
0xc8: {  	s2 =	sshrl.u32 s1, $0x0  }
0xc9: {  	s2 =	sand.u32 $0x1, s2  }
0xca: {  	p1 =	slt.s32 s0, $0x20;
	p0 =	seq.s32 s2, $0x1  }
0xcb: {  	p0 =	por !p1, !p0  }
0xcc: {  	s2 =	simm.s32 $0x1;
	p0 =	por !p0, !p0  }
0xcd: {  	s2 =	simm.s32 @!p0 $0x0  }
0xce: {  	s3 =	sshrl.u32 s1, $0x1;
	s8 =	sadd.s32 s2, s0;
	s2 =	sadd.s32 @p0 s13, s0  }
0xcf: {  	s3 =	sand.u32 $0x1, s3;
	v4 =	vmov @p0 s2  }
0xd0: {  	p6 =	seq.s32 s3, $0x1;
	p1 =	por p0, p0;
	p2 =	slt.s32 s8, $0x20  }
0xd1: {  	s10 =	simm.s32 $0x1;
	s3 =	sadd.s32 @p1 $0x0, s17;
	p2 =	por !p2, !p6  }
0xd2: {  	s0 =	simm.s32 $0x2;
	s4 =	simm.s32 @p1 $0x2080;
	v5 =	vmov @p1 s3;
	p0 =	por !p2, !p2  }
.LBB2_22:
0xd3: {  	s2 =	sadd.s32 @p0 s13, s8;
	s3 =	smov.u32 s0;
	s0 =	sadd.s32 $0x1, s0  }
0xd4: {  	[tilespmem:v4+s4+$0x0] =	vst.idx.msk @p1 $0x1, v5;
	v4 =	vmov @p0 s2;
	s2 =	simm.s32 $0x1;
	p2 =	sne.s32 s0, $0x20  }
.Ltmp17:
0xd5: {  	s4 =	sshrl.u32 s1, s3;
	s2 =	simm.s32 @!p0 $0x0;
	(pc) =	sbr.rel @p2 .LBB2_22-.Ltmp17, $4  }
0xd6: {  	s4 =	sand.u32 $0x1, s4;
	s8 =	sadd.s32 s2, s8  }
0xd7: {  	p1 =	por p0, p0;
	p3 =	seq.s32 s4, $0x1;
	p4 =	slt.s32 s8, $0x20  }
0xd8: {  	s2 =	sadd.s32 @p1 s10, s17;
	s10 =	smov.u32 s3;
	p0 =	por !p4, !p3  }
0xd9: {  	s4 =	simm.s32 @p1 $0x2080;
	v5 =	vmov @p1 s2;
	p0 =	por !p0, !p0  }
0xda: {  	s0 =	sadd.s32 @p0 s13, s8  }
0xdb: {  	v6 =	vmov @p0 s0;
	_ =	sdelay $0x1  }
0xdc: {  	p2 =	por p0, p0  }
0xdd: {  	s0 =	simm.s32 $0x1;
	s1 =	sadd.s32 @p2 s10, s17  }
0xde: {  	[tilespmem:v4+s4+$0x0] =	vst.idx.msk @p1 $0x1, v5;
	s0 =	simm.s32 @!p0 $0x0;
	v4 =	vmov @p2 s1;
	s1 =	simm.s32 @p2 $0x2080  }
0xdf: {  	s0 =	sadd.s32 s0, s8;
	[tilespmem:v6+s1+$0x0] =	vst.idx.msk @p2 $0x1, v4  }
.LBB2_24:
0xe0: {  	(v2sf) =	vpush v3, $0x4;
	_ =	sdelay $0xe  }
0xe1: {  	s1 =	spop (v2sf)  }
0xe2: {  	p0 =	seq.s32 s1, $0x0  }
.Ltmp18:
0xe3: {  	_ = 	snop;
	(pc) =	sbr.rel @p0 .LBB2_28-.Ltmp18, $1  }
0xe4: {  	_ =	sdelay $0x3  }
0xe5: {  	s2 =	sshrl.u32 s1, $0x0  }
0xe6: {  	s2 =	sand.u32 $0x1, s2  }
0xe7: {  	p1 =	slt.s32 s0, $0x20;
	p0 =	seq.s32 s2, $0x1  }
0xe8: {  	p0 =	por !p1, !p0  }
0xe9: {  	s2 =	simm.s32 $0x1;
	p0 =	por !p0, !p0  }
0xea: {  	s2 =	simm.s32 @!p0 $0x0  }
0xeb: {  	s3 =	sshrl.u32 s1, $0x1;
	s8 =	sadd.s32 s2, s0;
	s2 =	sadd.s32 @p0 s13, s0  }
0xec: {  	s3 =	sand.u32 $0x1, s3;
	v4 =	vmov @p0 s2  }
0xed: {  	p6 =	seq.s32 s3, $0x1;
	p1 =	por p0, p0;
	p2 =	slt.s32 s8, $0x20  }
0xee: {  	s10 =	simm.s32 $0x1;
	s3 =	sadd.s32 @p1 $0x0, s18;
	p2 =	por !p2, !p6  }
0xef: {  	s0 =	simm.s32 $0x2;
	s4 =	simm.s32 @p1 $0x2080;
	v5 =	vmov @p1 s3;
	p0 =	por !p2, !p2  }
.LBB2_26:
0xf0: {  	s2 =	sadd.s32 @p0 s13, s8;
	s3 =	smov.u32 s0;
	s0 =	sadd.s32 $0x1, s0  }
0xf1: {  	[tilespmem:v4+s4+$0x0] =	vst.idx.msk @p1 $0x1, v5;
	v4 =	vmov @p0 s2;
	s2 =	simm.s32 $0x1;
	p2 =	sne.s32 s0, $0x20  }
.Ltmp19:
0xf2: {  	s4 =	sshrl.u32 s1, s3;
	s2 =	simm.s32 @!p0 $0x0;
	(pc) =	sbr.rel @p2 .LBB2_26-.Ltmp19, $4  }
0xf3: {  	s4 =	sand.u32 $0x1, s4;
	s8 =	sadd.s32 s2, s8  }
0xf4: {  	p1 =	por p0, p0;
	p3 =	seq.s32 s4, $0x1;
	p4 =	slt.s32 s8, $0x20  }
0xf5: {  	s2 =	sadd.s32 @p1 s10, s18;
	s10 =	smov.u32 s3;
	p0 =	por !p4, !p3  }
0xf6: {  	s4 =	simm.s32 @p1 $0x2080;
	v5 =	vmov @p1 s2;
	p0 =	por !p0, !p0  }
0xf7: {  	s0 =	sadd.s32 @p0 s13, s8  }
0xf8: {  	v6 =	vmov @p0 s0;
	_ =	sdelay $0x1  }
0xf9: {  	p2 =	por p0, p0  }
0xfa: {  	s0 =	simm.s32 $0x1;
	s1 =	sadd.s32 @p2 s10, s18  }
0xfb: {  	[tilespmem:v4+s4+$0x0] =	vst.idx.msk @p1 $0x1, v5;
	s0 =	simm.s32 @!p0 $0x0;
	v4 =	vmov @p2 s1;
	s1 =	simm.s32 @p2 $0x2080  }
0xfc: {  	s0 =	sadd.s32 s0, s8;
	[tilespmem:v6+s1+$0x0] =	vst.idx.msk @p2 $0x1, v4  }
.LBB2_28:
0xfd: {  	(v2sf) =	vpush v3, $0x5;
	_ =	sdelay $0xe  }
0xfe: {  	s1 =	spop (v2sf)  }
0xff: {  	p0 =	seq.s32 s1, $0x0  }
.Ltmp20:
0x100: {  	_ = 	snop;
	(pc) =	sbr.rel @p0 .LBB2_32-.Ltmp20, $1  }
0x101: {  	_ =	sdelay $0x3  }
0x102: {  	s2 =	sshrl.u32 s1, $0x0  }
0x103: {  	s2 =	sand.u32 $0x1, s2  }
0x104: {  	p1 =	slt.s32 s0, $0x20;
	p0 =	seq.s32 s2, $0x1  }
0x105: {  	p0 =	por !p1, !p0  }
0x106: {  	s2 =	simm.s32 $0x1;
	p0 =	por !p0, !p0  }
0x107: {  	s2 =	simm.s32 @!p0 $0x0  }
0x108: {  	s3 =	sshrl.u32 s1, $0x1;
	s8 =	sadd.s32 s2, s0;
	s2 =	sadd.s32 @p0 s13, s0  }
0x109: {  	s3 =	sand.u32 $0x1, s3;
	v4 =	vmov @p0 s2  }
0x10a: {  	p6 =	seq.s32 s3, $0x1;
	p1 =	por p0, p0;
	p2 =	slt.s32 s8, $0x20  }
0x10b: {  	s10 =	simm.s32 $0x1;
	s3 =	sadd.s32 @p1 $0x0, s19;
	p2 =	por !p2, !p6  }
0x10c: {  	s0 =	simm.s32 $0x2;
	s4 =	simm.s32 @p1 $0x2080;
	v5 =	vmov @p1 s3;
	p0 =	por !p2, !p2  }
.LBB2_30:
0x10d: {  	s2 =	sadd.s32 @p0 s13, s8;
	s3 =	smov.u32 s0;
	s0 =	sadd.s32 $0x1, s0  }
0x10e: {  	[tilespmem:v4+s4+$0x0] =	vst.idx.msk @p1 $0x1, v5;
	v4 =	vmov @p0 s2;
	s2 =	simm.s32 $0x1;
	p2 =	sne.s32 s0, $0x20  }
.Ltmp21:
0x10f: {  	s4 =	sshrl.u32 s1, s3;
	s2 =	simm.s32 @!p0 $0x0;
	(pc) =	sbr.rel @p2 .LBB2_30-.Ltmp21, $4  }
0x110: {  	s4 =	sand.u32 $0x1, s4;
	s8 =	sadd.s32 s2, s8  }
0x111: {  	p1 =	por p0, p0;
	p3 =	seq.s32 s4, $0x1;
	p4 =	slt.s32 s8, $0x20  }
0x112: {  	s2 =	sadd.s32 @p1 s10, s19;
	s10 =	smov.u32 s3;
	p0 =	por !p4, !p3  }
0x113: {  	s4 =	simm.s32 @p1 $0x2080;
	v5 =	vmov @p1 s2;
	p0 =	por !p0, !p0  }
0x114: {  	s0 =	sadd.s32 @p0 s13, s8  }
0x115: {  	v6 =	vmov @p0 s0;
	_ =	sdelay $0x1  }
0x116: {  	p2 =	por p0, p0  }
0x117: {  	s0 =	simm.s32 $0x1;
	s1 =	sadd.s32 @p2 s10, s19  }
0x118: {  	[tilespmem:v4+s4+$0x0] =	vst.idx.msk @p1 $0x1, v5;
	s0 =	simm.s32 @!p0 $0x0;
	v4 =	vmov @p2 s1;
	s1 =	simm.s32 @p2 $0x2080  }
0x119: {  	s0 =	sadd.s32 s0, s8;
	[tilespmem:v6+s1+$0x0] =	vst.idx.msk @p2 $0x1, v4  }
.LBB2_32:
0x11a: {  	(v2sf) =	vpush v3, $0x6;
	_ =	sdelay $0xe  }
0x11b: {  	s1 =	spop (v2sf)  }
0x11c: {  	p0 =	seq.s32 s1, $0x0  }
.Ltmp22:
0x11d: {  	_ = 	snop;
	(pc) =	sbr.rel @p0 .LBB2_36-.Ltmp22, $1  }
0x11e: {  	_ =	sdelay $0x3  }
0x11f: {  	s2 =	sshrl.u32 s1, $0x0  }
0x120: {  	s2 =	sand.u32 $0x1, s2  }
0x121: {  	p1 =	slt.s32 s0, $0x20;
	p0 =	seq.s32 s2, $0x1  }
0x122: {  	p0 =	por !p1, !p0  }
0x123: {  	s2 =	simm.s32 $0x1;
	p0 =	por !p0, !p0  }
0x124: {  	s2 =	simm.s32 @!p0 $0x0  }
0x125: {  	s3 =	sshrl.u32 s1, $0x1;
	s8 =	sadd.s32 s2, s0;
	s2 =	sadd.s32 @p0 s13, s0  }
0x126: {  	s3 =	sand.u32 $0x1, s3;
	v4 =	vmov @p0 s2  }
0x127: {  	p6 =	seq.s32 s3, $0x1;
	p1 =	por p0, p0;
	p2 =	slt.s32 s8, $0x20  }
0x128: {  	s10 =	simm.s32 $0x1;
	s3 =	sadd.s32 @p1 $0x0, s20;
	p2 =	por !p2, !p6  }
0x129: {  	s0 =	simm.s32 $0x2;
	s4 =	simm.s32 @p1 $0x2080;
	v5 =	vmov @p1 s3;
	p0 =	por !p2, !p2  }
.LBB2_34:
0x12a: {  	s2 =	sadd.s32 @p0 s13, s8;
	s3 =	smov.u32 s0;
	s0 =	sadd.s32 $0x1, s0  }
0x12b: {  	[tilespmem:v4+s4+$0x0] =	vst.idx.msk @p1 $0x1, v5;
	v4 =	vmov @p0 s2;
	s2 =	simm.s32 $0x1;
	p2 =	sne.s32 s0, $0x20  }
.Ltmp23:
0x12c: {  	s4 =	sshrl.u32 s1, s3;
	s2 =	simm.s32 @!p0 $0x0;
	(pc) =	sbr.rel @p2 .LBB2_34-.Ltmp23, $4  }
0x12d: {  	s4 =	sand.u32 $0x1, s4;
	s8 =	sadd.s32 s2, s8  }
0x12e: {  	p1 =	por p0, p0;
	p3 =	seq.s32 s4, $0x1;
	p4 =	slt.s32 s8, $0x20  }
0x12f: {  	s2 =	sadd.s32 @p1 s10, s20;
	s10 =	smov.u32 s3;
	p0 =	por !p4, !p3  }
0x130: {  	s4 =	simm.s32 @p1 $0x2080;
	v5 =	vmov @p1 s2;
	p0 =	por !p0, !p0  }
0x131: {  	s0 =	sadd.s32 @p0 s13, s8  }
0x132: {  	v6 =	vmov @p0 s0;
	_ =	sdelay $0x1  }
0x133: {  	p2 =	por p0, p0  }
0x134: {  	s0 =	simm.s32 $0x1;
	s1 =	sadd.s32 @p2 s10, s20  }
0x135: {  	[tilespmem:v4+s4+$0x0] =	vst.idx.msk @p1 $0x1, v5;
	s0 =	simm.s32 @!p0 $0x0;
	v4 =	vmov @p2 s1;
	s1 =	simm.s32 @p2 $0x2080  }
0x136: {  	s0 =	sadd.s32 s0, s8;
	[tilespmem:v6+s1+$0x0] =	vst.idx.msk @p2 $0x1, v4  }
.LBB2_36:
0x137: {  	(v2sf) =	vpush v3, $0x7;
	_ =	sdelay $0xe  }
0x138: {  	s1 =	spop (v2sf)  }
0x139: {  	p0 =	seq.s32 s1, $0x0  }
.Ltmp24:
0x13a: {  	_ = 	snop;
	(pc) =	sbr.rel @p0 .LBB2_40-.Ltmp24, $1  }
0x13b: {  	_ =	sdelay $0x3  }
0x13c: {  	s2 =	sshrl.u32 s1, $0x0  }
0x13d: {  	s2 =	sand.u32 $0x1, s2  }
0x13e: {  	p1 =	slt.s32 s0, $0x20;
	p0 =	seq.s32 s2, $0x1  }
0x13f: {  	p0 =	por !p1, !p0  }
0x140: {  	s2 =	simm.s32 $0x1;
	p0 =	por !p0, !p0  }
0x141: {  	s2 =	simm.s32 @!p0 $0x0  }
0x142: {  	s3 =	sshrl.u32 s1, $0x1;
	s8 =	sadd.s32 s2, s0;
	s2 =	sadd.s32 @p0 s13, s0  }
0x143: {  	s3 =	sand.u32 $0x1, s3;
	v4 =	vmov @p0 s2  }
0x144: {  	p6 =	seq.s32 s3, $0x1;
	p1 =	por p0, p0;
	p2 =	slt.s32 s8, $0x20  }
0x145: {  	s10 =	simm.s32 $0x1;
	s3 =	sadd.s32 @p1 $0x0, s21;
	p2 =	por !p2, !p6  }
0x146: {  	s0 =	simm.s32 $0x2;
	s4 =	simm.s32 @p1 $0x2080;
	v5 =	vmov @p1 s3;
	p0 =	por !p2, !p2  }
.LBB2_38:
0x147: {  	s2 =	sadd.s32 @p0 s13, s8;
	s3 =	smov.u32 s0;
	s0 =	sadd.s32 $0x1, s0  }
0x148: {  	[tilespmem:v4+s4+$0x0] =	vst.idx.msk @p1 $0x1, v5;
	v4 =	vmov @p0 s2;
	s2 =	simm.s32 $0x1;
	p2 =	sne.s32 s0, $0x20  }
.Ltmp25:
0x149: {  	s4 =	sshrl.u32 s1, s3;
	s2 =	simm.s32 @!p0 $0x0;
	(pc) =	sbr.rel @p2 .LBB2_38-.Ltmp25, $4  }
0x14a: {  	s4 =	sand.u32 $0x1, s4;
	s8 =	sadd.s32 s2, s8  }
0x14b: {  	p1 =	por p0, p0;
	p3 =	seq.s32 s4, $0x1;
	p4 =	slt.s32 s8, $0x20  }
0x14c: {  	s2 =	sadd.s32 @p1 s10, s21;
	s10 =	smov.u32 s3;
	p0 =	por !p4, !p3  }
0x14d: {  	s4 =	simm.s32 @p1 $0x2080;
	v5 =	vmov @p1 s2;
	p0 =	por !p0, !p0  }
0x14e: {  	s0 =	sadd.s32 @p0 s13, s8  }
0x14f: {  	v6 =	vmov @p0 s0;
	_ =	sdelay $0x1  }
0x150: {  	p2 =	por p0, p0  }
0x151: {  	s0 =	simm.s32 $0x1;
	s1 =	sadd.s32 @p2 s10, s21  }
0x152: {  	[tilespmem:v4+s4+$0x0] =	vst.idx.msk @p1 $0x1, v5;
	s0 =	simm.s32 @!p0 $0x0;
	v4 =	vmov @p2 s1;
	s1 =	simm.s32 @p2 $0x2080  }
0x153: {  	s0 =	sadd.s32 s0, s8;
	[tilespmem:v6+s1+$0x0] =	vst.idx.msk @p2 $0x1, v4  }
.LBB2_40:
0x154: {  	(v2sf) =	vpush v3, $0x8;
	_ =	sdelay $0xe  }
0x155: {  	s1 =	spop (v2sf)  }
0x156: {  	p0 =	seq.s32 s1, $0x0  }
.Ltmp26:
0x157: {  	_ = 	snop;
	(pc) =	sbr.rel @p0 .LBB2_44-.Ltmp26, $1  }
0x158: {  	_ =	sdelay $0x3  }
0x159: {  	s2 =	sshrl.u32 s1, $0x0  }
0x15a: {  	s2 =	sand.u32 $0x1, s2  }
0x15b: {  	p1 =	slt.s32 s0, $0x20;
	p0 =	seq.s32 s2, $0x1  }
0x15c: {  	p0 =	por !p1, !p0  }
0x15d: {  	s2 =	simm.s32 $0x1;
	p0 =	por !p0, !p0  }
0x15e: {  	s2 =	simm.s32 @!p0 $0x0  }
0x15f: {  	s3 =	sshrl.u32 s1, $0x1;
	s8 =	sadd.s32 s2, s0;
	s2 =	sadd.s32 @p0 s13, s0  }
0x160: {  	s3 =	sand.u32 $0x1, s3;
	v4 =	vmov @p0 s2  }
0x161: {  	p6 =	seq.s32 s3, $0x1;
	p1 =	por p0, p0;
	p2 =	slt.s32 s8, $0x20  }
0x162: {  	s10 =	simm.s32 $0x1;
	s3 =	sadd.s32 @p1 $0x0, s22;
	p2 =	por !p2, !p6  }
0x163: {  	s0 =	simm.s32 $0x2;
	s4 =	simm.s32 @p1 $0x2080;
	v5 =	vmov @p1 s3;
	p0 =	por !p2, !p2  }
.LBB2_42:
0x164: {  	s2 =	sadd.s32 @p0 s13, s8;
	s3 =	smov.u32 s0;
	s0 =	sadd.s32 $0x1, s0  }
0x165: {  	[tilespmem:v4+s4+$0x0] =	vst.idx.msk @p1 $0x1, v5;
	v4 =	vmov @p0 s2;
	s2 =	simm.s32 $0x1;
	p2 =	sne.s32 s0, $0x20  }
.Ltmp27:
0x166: {  	s4 =	sshrl.u32 s1, s3;
	s2 =	simm.s32 @!p0 $0x0;
	(pc) =	sbr.rel @p2 .LBB2_42-.Ltmp27, $4  }
0x167: {  	s4 =	sand.u32 $0x1, s4;
	s8 =	sadd.s32 s2, s8  }
0x168: {  	p1 =	por p0, p0;
	p3 =	seq.s32 s4, $0x1;
	p4 =	slt.s32 s8, $0x20  }
0x169: {  	s2 =	sadd.s32 @p1 s10, s22;
	s10 =	smov.u32 s3;
	p0 =	por !p4, !p3  }
0x16a: {  	s4 =	simm.s32 @p1 $0x2080;
	v5 =	vmov @p1 s2;
	p0 =	por !p0, !p0  }
0x16b: {  	s0 =	sadd.s32 @p0 s13, s8  }
0x16c: {  	v6 =	vmov @p0 s0;
	_ =	sdelay $0x1  }
0x16d: {  	p2 =	por p0, p0  }
0x16e: {  	s0 =	simm.s32 $0x1;
	s1 =	sadd.s32 @p2 s10, s22  }
0x16f: {  	[tilespmem:v4+s4+$0x0] =	vst.idx.msk @p1 $0x1, v5;
	s0 =	simm.s32 @!p0 $0x0;
	v4 =	vmov @p2 s1;
	s1 =	simm.s32 @p2 $0x2080  }
0x170: {  	s0 =	sadd.s32 s0, s8;
	[tilespmem:v6+s1+$0x0] =	vst.idx.msk @p2 $0x1, v4  }
.LBB2_44:
0x171: {  	(v2sf) =	vpush v3, $0x9;
	_ =	sdelay $0xe  }
0x172: {  	s1 =	spop (v2sf)  }
0x173: {  	p0 =	seq.s32 s1, $0x0  }
.Ltmp28:
0x174: {  	_ = 	snop;
	(pc) =	sbr.rel @p0 .LBB2_48-.Ltmp28, $1  }
0x175: {  	_ =	sdelay $0x3  }
0x176: {  	s2 =	sshrl.u32 s1, $0x0  }
0x177: {  	s2 =	sand.u32 $0x1, s2  }
0x178: {  	p1 =	slt.s32 s0, $0x20;
	p0 =	seq.s32 s2, $0x1  }
0x179: {  	p0 =	por !p1, !p0  }
0x17a: {  	s2 =	simm.s32 $0x1;
	p0 =	por !p0, !p0  }
0x17b: {  	s2 =	simm.s32 @!p0 $0x0  }
0x17c: {  	s3 =	sshrl.u32 s1, $0x1;
	s8 =	sadd.s32 s2, s0;
	s2 =	sadd.s32 @p0 s13, s0  }
0x17d: {  	s3 =	sand.u32 $0x1, s3;
	v4 =	vmov @p0 s2  }
0x17e: {  	p6 =	seq.s32 s3, $0x1;
	p1 =	por p0, p0;
	p2 =	slt.s32 s8, $0x20  }
0x17f: {  	s10 =	simm.s32 $0x1;
	s3 =	sadd.s32 @p1 $0x0, s23;
	p2 =	por !p2, !p6  }
0x180: {  	s0 =	simm.s32 $0x2;
	s4 =	simm.s32 @p1 $0x2080;
	v5 =	vmov @p1 s3;
	p0 =	por !p2, !p2  }
.LBB2_46:
0x181: {  	s2 =	sadd.s32 @p0 s13, s8;
	s3 =	smov.u32 s0;
	s0 =	sadd.s32 $0x1, s0  }
0x182: {  	[tilespmem:v4+s4+$0x0] =	vst.idx.msk @p1 $0x1, v5;
	v4 =	vmov @p0 s2;
	s2 =	simm.s32 $0x1;
	p2 =	sne.s32 s0, $0x20  }
.Ltmp29:
0x183: {  	s4 =	sshrl.u32 s1, s3;
	s2 =	simm.s32 @!p0 $0x0;
	(pc) =	sbr.rel @p2 .LBB2_46-.Ltmp29, $4  }
0x184: {  	s4 =	sand.u32 $0x1, s4;
	s8 =	sadd.s32 s2, s8  }
0x185: {  	p1 =	por p0, p0;
	p3 =	seq.s32 s4, $0x1;
	p4 =	slt.s32 s8, $0x20  }
0x186: {  	s2 =	sadd.s32 @p1 s10, s23;
	s10 =	smov.u32 s3;
	p0 =	por !p4, !p3  }
0x187: {  	s4 =	simm.s32 @p1 $0x2080;
	v5 =	vmov @p1 s2;
	p0 =	por !p0, !p0  }
0x188: {  	s0 =	sadd.s32 @p0 s13, s8  }
0x189: {  	v6 =	vmov @p0 s0;
	_ =	sdelay $0x1  }
0x18a: {  	p2 =	por p0, p0  }
0x18b: {  	s0 =	simm.s32 $0x1;
	s1 =	sadd.s32 @p2 s10, s23  }
0x18c: {  	[tilespmem:v4+s4+$0x0] =	vst.idx.msk @p1 $0x1, v5;
	s0 =	simm.s32 @!p0 $0x0;
	v4 =	vmov @p2 s1;
	s1 =	simm.s32 @p2 $0x2080  }
0x18d: {  	s0 =	sadd.s32 s0, s8;
	[tilespmem:v6+s1+$0x0] =	vst.idx.msk @p2 $0x1, v4  }
.LBB2_48:
0x18e: {  	(v2sf) =	vpush v3, $0xA;
	_ =	sdelay $0xe  }
0x18f: {  	s1 =	spop (v2sf)  }
0x190: {  	p0 =	seq.s32 s1, $0x0  }
.Ltmp30:
0x191: {  	_ = 	snop;
	(pc) =	sbr.rel @p0 .LBB2_52-.Ltmp30, $1  }
0x192: {  	_ =	sdelay $0x3  }
0x193: {  	s2 =	sshrl.u32 s1, $0x0  }
0x194: {  	s2 =	sand.u32 $0x1, s2  }
0x195: {  	p1 =	slt.s32 s0, $0x20;
	p0 =	seq.s32 s2, $0x1  }
0x196: {  	p0 =	por !p1, !p0  }
0x197: {  	s2 =	simm.s32 $0x1;
	p0 =	por !p0, !p0  }
0x198: {  	s2 =	simm.s32 @!p0 $0x0  }
0x199: {  	s3 =	sshrl.u32 s1, $0x1;
	s8 =	sadd.s32 s2, s0;
	s2 =	sadd.s32 @p0 s13, s0  }
0x19a: {  	s3 =	sand.u32 $0x1, s3;
	v4 =	vmov @p0 s2  }
0x19b: {  	p6 =	seq.s32 s3, $0x1;
	p1 =	por p0, p0;
	p2 =	slt.s32 s8, $0x20  }
0x19c: {  	s10 =	simm.s32 $0x1;
	s3 =	sadd.s32 @p1 $0x0, s24;
	p2 =	por !p2, !p6  }
0x19d: {  	s0 =	simm.s32 $0x2;
	s4 =	simm.s32 @p1 $0x2080;
	v5 =	vmov @p1 s3;
	p0 =	por !p2, !p2  }
.LBB2_50:
0x19e: {  	s2 =	sadd.s32 @p0 s13, s8;
	s3 =	smov.u32 s0;
	s0 =	sadd.s32 $0x1, s0  }
0x19f: {  	[tilespmem:v4+s4+$0x0] =	vst.idx.msk @p1 $0x1, v5;
	v4 =	vmov @p0 s2;
	s2 =	simm.s32 $0x1;
	p2 =	sne.s32 s0, $0x20  }
.Ltmp31:
0x1a0: {  	s4 =	sshrl.u32 s1, s3;
	s2 =	simm.s32 @!p0 $0x0;
	(pc) =	sbr.rel @p2 .LBB2_50-.Ltmp31, $4  }
0x1a1: {  	s4 =	sand.u32 $0x1, s4;
	s8 =	sadd.s32 s2, s8  }
0x1a2: {  	p1 =	por p0, p0;
	p3 =	seq.s32 s4, $0x1;
	p4 =	slt.s32 s8, $0x20  }
0x1a3: {  	s2 =	sadd.s32 @p1 s10, s24;
	s10 =	smov.u32 s3;
	p0 =	por !p4, !p3  }
0x1a4: {  	s4 =	simm.s32 @p1 $0x2080;
	v5 =	vmov @p1 s2;
	p0 =	por !p0, !p0  }
0x1a5: {  	s0 =	sadd.s32 @p0 s13, s8  }
0x1a6: {  	v6 =	vmov @p0 s0;
	_ =	sdelay $0x1  }
0x1a7: {  	p2 =	por p0, p0  }
0x1a8: {  	s0 =	simm.s32 $0x1;
	s1 =	sadd.s32 @p2 s10, s24  }
0x1a9: {  	[tilespmem:v4+s4+$0x0] =	vst.idx.msk @p1 $0x1, v5;
	s0 =	simm.s32 @!p0 $0x0;
	v4 =	vmov @p2 s1;
	s1 =	simm.s32 @p2 $0x2080  }
0x1aa: {  	s0 =	sadd.s32 s0, s8;
	[tilespmem:v6+s1+$0x0] =	vst.idx.msk @p2 $0x1, v4  }
.LBB2_52:
0x1ab: {  	(v2sf) =	vpush v3, $0xB;
	_ =	sdelay $0xe  }
0x1ac: {  	s1 =	spop (v2sf)  }
0x1ad: {  	p0 =	seq.s32 s1, $0x0  }
.Ltmp32:
0x1ae: {  	_ = 	snop;
	(pc) =	sbr.rel @p0 .LBB2_56-.Ltmp32, $1  }
0x1af: {  	_ =	sdelay $0x3  }
0x1b0: {  	s2 =	sshrl.u32 s1, $0x0  }
0x1b1: {  	s2 =	sand.u32 $0x1, s2  }
0x1b2: {  	p1 =	slt.s32 s0, $0x20;
	p0 =	seq.s32 s2, $0x1  }
0x1b3: {  	p0 =	por !p1, !p0  }
0x1b4: {  	s2 =	simm.s32 $0x1;
	p0 =	por !p0, !p0  }
0x1b5: {  	s2 =	simm.s32 @!p0 $0x0  }
0x1b6: {  	s3 =	sshrl.u32 s1, $0x1;
	s8 =	sadd.s32 s2, s0;
	s2 =	sadd.s32 @p0 s13, s0  }
0x1b7: {  	s3 =	sand.u32 $0x1, s3;
	v4 =	vmov @p0 s2  }
0x1b8: {  	p6 =	seq.s32 s3, $0x1;
	p1 =	por p0, p0;
	p2 =	slt.s32 s8, $0x20  }
0x1b9: {  	s10 =	simm.s32 $0x1;
	s3 =	sadd.s32 @p1 $0x0, s25;
	p2 =	por !p2, !p6  }
0x1ba: {  	s0 =	simm.s32 $0x2;
	s4 =	simm.s32 @p1 $0x2080;
	v5 =	vmov @p1 s3;
	p0 =	por !p2, !p2  }
.LBB2_54:
0x1bb: {  	s2 =	sadd.s32 @p0 s13, s8;
	s3 =	smov.u32 s0;
	s0 =	sadd.s32 $0x1, s0  }
0x1bc: {  	[tilespmem:v4+s4+$0x0] =	vst.idx.msk @p1 $0x1, v5;
	v4 =	vmov @p0 s2;
	s2 =	simm.s32 $0x1;
	p2 =	sne.s32 s0, $0x20  }
.Ltmp33:
0x1bd: {  	s4 =	sshrl.u32 s1, s3;
	s2 =	simm.s32 @!p0 $0x0;
	(pc) =	sbr.rel @p2 .LBB2_54-.Ltmp33, $4  }
0x1be: {  	s4 =	sand.u32 $0x1, s4;
	s8 =	sadd.s32 s2, s8  }
0x1bf: {  	p1 =	por p0, p0;
	p3 =	seq.s32 s4, $0x1;
	p4 =	slt.s32 s8, $0x20  }
0x1c0: {  	s2 =	sadd.s32 @p1 s10, s25;
	s10 =	smov.u32 s3;
	p0 =	por !p4, !p3  }
0x1c1: {  	s4 =	simm.s32 @p1 $0x2080;
	v5 =	vmov @p1 s2;
	p0 =	por !p0, !p0  }
0x1c2: {  	s0 =	sadd.s32 @p0 s13, s8  }
0x1c3: {  	v6 =	vmov @p0 s0;
	_ =	sdelay $0x1  }
0x1c4: {  	p2 =	por p0, p0  }
0x1c5: {  	s0 =	simm.s32 $0x1;
	s1 =	sadd.s32 @p2 s10, s25  }
0x1c6: {  	[tilespmem:v4+s4+$0x0] =	vst.idx.msk @p1 $0x1, v5;
	s0 =	simm.s32 @!p0 $0x0;
	v4 =	vmov @p2 s1;
	s1 =	simm.s32 @p2 $0x2080  }
0x1c7: {  	s0 =	sadd.s32 s0, s8;
	[tilespmem:v6+s1+$0x0] =	vst.idx.msk @p2 $0x1, v4  }
.LBB2_56:
0x1c8: {  	(v2sf) =	vpush v3, $0xC;
	_ =	sdelay $0xe  }
0x1c9: {  	s1 =	spop (v2sf)  }
0x1ca: {  	p0 =	seq.s32 s1, $0x0  }
.Ltmp34:
0x1cb: {  	_ = 	snop;
	(pc) =	sbr.rel @p0 .LBB2_60-.Ltmp34, $1  }
0x1cc: {  	_ =	sdelay $0x3  }
0x1cd: {  	s2 =	sshrl.u32 s1, $0x0  }
0x1ce: {  	s2 =	sand.u32 $0x1, s2  }
0x1cf: {  	p1 =	slt.s32 s0, $0x20;
	p0 =	seq.s32 s2, $0x1  }
0x1d0: {  	p0 =	por !p1, !p0  }
0x1d1: {  	s2 =	simm.s32 $0x1;
	p0 =	por !p0, !p0  }
0x1d2: {  	s2 =	simm.s32 @!p0 $0x0  }
0x1d3: {  	s3 =	sshrl.u32 s1, $0x1;
	s8 =	sadd.s32 s2, s0;
	s2 =	sadd.s32 @p0 s13, s0  }
0x1d4: {  	s3 =	sand.u32 $0x1, s3;
	v4 =	vmov @p0 s2  }
0x1d5: {  	p6 =	seq.s32 s3, $0x1;
	p1 =	por p0, p0;
	p2 =	slt.s32 s8, $0x20  }
0x1d6: {  	s10 =	simm.s32 $0x1;
	s3 =	sadd.s32 @p1 $0x0, s26;
	p2 =	por !p2, !p6  }
0x1d7: {  	s0 =	simm.s32 $0x2;
	s4 =	simm.s32 @p1 $0x2080;
	v5 =	vmov @p1 s3;
	p0 =	por !p2, !p2  }
.LBB2_58:
0x1d8: {  	s2 =	sadd.s32 @p0 s13, s8;
	s3 =	smov.u32 s0;
	s0 =	sadd.s32 $0x1, s0  }
0x1d9: {  	[tilespmem:v4+s4+$0x0] =	vst.idx.msk @p1 $0x1, v5;
	v4 =	vmov @p0 s2;
	s2 =	simm.s32 $0x1;
	p2 =	sne.s32 s0, $0x20  }
.Ltmp35:
0x1da: {  	s4 =	sshrl.u32 s1, s3;
	s2 =	simm.s32 @!p0 $0x0;
	(pc) =	sbr.rel @p2 .LBB2_58-.Ltmp35, $4  }
0x1db: {  	s4 =	sand.u32 $0x1, s4;
	s8 =	sadd.s32 s2, s8  }
0x1dc: {  	p1 =	por p0, p0;
	p3 =	seq.s32 s4, $0x1;
	p4 =	slt.s32 s8, $0x20  }
0x1dd: {  	s2 =	sadd.s32 @p1 s10, s26;
	s10 =	smov.u32 s3;
	p0 =	por !p4, !p3  }
0x1de: {  	s4 =	simm.s32 @p1 $0x2080;
	v5 =	vmov @p1 s2;
	p0 =	por !p0, !p0  }
0x1df: {  	s0 =	sadd.s32 @p0 s13, s8  }
0x1e0: {  	v6 =	vmov @p0 s0;
	_ =	sdelay $0x1  }
0x1e1: {  	p2 =	por p0, p0  }
0x1e2: {  	s0 =	simm.s32 $0x1;
	s1 =	sadd.s32 @p2 s10, s26  }
0x1e3: {  	[tilespmem:v4+s4+$0x0] =	vst.idx.msk @p1 $0x1, v5;
	s0 =	simm.s32 @!p0 $0x0;
	v4 =	vmov @p2 s1;
	s1 =	simm.s32 @p2 $0x2080  }
0x1e4: {  	s0 =	sadd.s32 s0, s8;
	[tilespmem:v6+s1+$0x0] =	vst.idx.msk @p2 $0x1, v4  }
.LBB2_60:
0x1e5: {  	(v2sf) =	vpush v3, $0xD;
	_ =	sdelay $0xe  }
0x1e6: {  	s1 =	spop (v2sf)  }
0x1e7: {  	p0 =	seq.s32 s1, $0x0  }
.Ltmp36:
0x1e8: {  	_ = 	snop;
	(pc) =	sbr.rel @p0 .LBB2_64-.Ltmp36, $1  }
0x1e9: {  	_ =	sdelay $0x3  }
0x1ea: {  	s2 =	sshrl.u32 s1, $0x0  }
0x1eb: {  	s2 =	sand.u32 $0x1, s2  }
0x1ec: {  	p1 =	slt.s32 s0, $0x20;
	p0 =	seq.s32 s2, $0x1  }
0x1ed: {  	p0 =	por !p1, !p0  }
0x1ee: {  	s2 =	simm.s32 $0x1;
	p0 =	por !p0, !p0  }
0x1ef: {  	s2 =	simm.s32 @!p0 $0x0  }
0x1f0: {  	s3 =	sshrl.u32 s1, $0x1;
	s8 =	sadd.s32 s2, s0;
	s2 =	sadd.s32 @p0 s13, s0  }
0x1f1: {  	s3 =	sand.u32 $0x1, s3;
	v4 =	vmov @p0 s2  }
0x1f2: {  	p6 =	seq.s32 s3, $0x1;
	p1 =	por p0, p0;
	p2 =	slt.s32 s8, $0x20  }
0x1f3: {  	s10 =	simm.s32 $0x1;
	s3 =	sadd.s32 @p1 $0x0, s28;
	p2 =	por !p2, !p6  }
0x1f4: {  	s0 =	simm.s32 $0x2;
	s4 =	simm.s32 @p1 $0x2080;
	v5 =	vmov @p1 s3;
	p0 =	por !p2, !p2  }
.LBB2_62:
0x1f5: {  	s2 =	sadd.s32 @p0 s13, s8;
	s3 =	smov.u32 s0;
	s0 =	sadd.s32 $0x1, s0  }
0x1f6: {  	[tilespmem:v4+s4+$0x0] =	vst.idx.msk @p1 $0x1, v5;
	v4 =	vmov @p0 s2;
	s2 =	simm.s32 $0x1;
	p2 =	sne.s32 s0, $0x20  }
.Ltmp37:
0x1f7: {  	s4 =	sshrl.u32 s1, s3;
	s2 =	simm.s32 @!p0 $0x0;
	(pc) =	sbr.rel @p2 .LBB2_62-.Ltmp37, $4  }
0x1f8: {  	s4 =	sand.u32 $0x1, s4;
	s8 =	sadd.s32 s2, s8  }
0x1f9: {  	p1 =	por p0, p0;
	p3 =	seq.s32 s4, $0x1;
	p4 =	slt.s32 s8, $0x20  }
0x1fa: {  	s2 =	sadd.s32 @p1 s10, s28;
	s10 =	smov.u32 s3;
	p0 =	por !p4, !p3  }
0x1fb: {  	s4 =	simm.s32 @p1 $0x2080;
	v5 =	vmov @p1 s2;
	p0 =	por !p0, !p0  }
0x1fc: {  	s0 =	sadd.s32 @p0 s13, s8  }
0x1fd: {  	v6 =	vmov @p0 s0;
	_ =	sdelay $0x1  }
0x1fe: {  	p2 =	por p0, p0  }
0x1ff: {  	s0 =	simm.s32 $0x1;
	s1 =	sadd.s32 @p2 s10, s28  }
0x200: {  	[tilespmem:v4+s4+$0x0] =	vst.idx.msk @p1 $0x1, v5;
	s0 =	simm.s32 @!p0 $0x0;
	v4 =	vmov @p2 s1;
	s1 =	simm.s32 @p2 $0x2080  }
0x201: {  	s0 =	sadd.s32 s0, s8;
	[tilespmem:v6+s1+$0x0] =	vst.idx.msk @p2 $0x1, v4  }
.LBB2_64:
0x202: {  	(v2sf) =	vpush v3, $0xE;
	_ =	sdelay $0xe  }
0x203: {  	s1 =	spop (v2sf)  }
0x204: {  	p0 =	seq.s32 s1, $0x0  }
.Ltmp38:
0x205: {  	_ = 	snop;
	(pc) =	sbr.rel @p0 .LBB2_68-.Ltmp38, $1  }
0x206: {  	_ =	sdelay $0x3  }
0x207: {  	s2 =	sshrl.u32 s1, $0x0  }
0x208: {  	s2 =	sand.u32 $0x1, s2  }
0x209: {  	p1 =	slt.s32 s0, $0x20;
	p0 =	seq.s32 s2, $0x1  }
0x20a: {  	p0 =	por !p1, !p0  }
0x20b: {  	s2 =	simm.s32 $0x1;
	p0 =	por !p0, !p0  }
0x20c: {  	s2 =	simm.s32 @!p0 $0x0  }
0x20d: {  	s3 =	sshrl.u32 s1, $0x1;
	s8 =	sadd.s32 s2, s0;
	s2 =	sadd.s32 @p0 s13, s0  }
0x20e: {  	s3 =	sand.u32 $0x1, s3;
	v4 =	vmov @p0 s2  }
0x20f: {  	p6 =	seq.s32 s3, $0x1;
	p1 =	por p0, p0;
	p2 =	slt.s32 s8, $0x20  }
0x210: {  	s10 =	simm.s32 $0x1;
	s3 =	sadd.s32 @p1 $0x0, s29;
	p2 =	por !p2, !p6  }
0x211: {  	s0 =	simm.s32 $0x2;
	s4 =	simm.s32 @p1 $0x2080;
	v5 =	vmov @p1 s3;
	p0 =	por !p2, !p2  }
.LBB2_66:
0x212: {  	s2 =	sadd.s32 @p0 s13, s8;
	s3 =	smov.u32 s0;
	s0 =	sadd.s32 $0x1, s0  }
0x213: {  	[tilespmem:v4+s4+$0x0] =	vst.idx.msk @p1 $0x1, v5;
	v4 =	vmov @p0 s2;
	s2 =	simm.s32 $0x1;
	p2 =	sne.s32 s0, $0x20  }
.Ltmp39:
0x214: {  	s4 =	sshrl.u32 s1, s3;
	s2 =	simm.s32 @!p0 $0x0;
	(pc) =	sbr.rel @p2 .LBB2_66-.Ltmp39, $4  }
0x215: {  	s4 =	sand.u32 $0x1, s4;
	s8 =	sadd.s32 s2, s8  }
0x216: {  	p1 =	por p0, p0;
	p3 =	seq.s32 s4, $0x1;
	p4 =	slt.s32 s8, $0x20  }
0x217: {  	s2 =	sadd.s32 @p1 s10, s29;
	s10 =	smov.u32 s3;
	p0 =	por !p4, !p3  }
0x218: {  	s4 =	simm.s32 @p1 $0x2080;
	v5 =	vmov @p1 s2;
	p0 =	por !p0, !p0  }
0x219: {  	s0 =	sadd.s32 @p0 s13, s8  }
0x21a: {  	v6 =	vmov @p0 s0;
	_ =	sdelay $0x1  }
0x21b: {  	p2 =	por p0, p0  }
0x21c: {  	s0 =	simm.s32 $0x1;
	s1 =	sadd.s32 @p2 s10, s29  }
0x21d: {  	[tilespmem:v4+s4+$0x0] =	vst.idx.msk @p1 $0x1, v5;
	s0 =	simm.s32 @!p0 $0x0;
	v4 =	vmov @p2 s1;
	s1 =	simm.s32 @p2 $0x2080  }
0x21e: {  	s0 =	sadd.s32 s0, s8;
	[tilespmem:v6+s1+$0x0] =	vst.idx.msk @p2 $0x1, v4  }
.LBB2_68:
0x21f: {  	(v2sf) =	vpush v3, $0xF;
	_ =	sdelay $0xe  }
0x220: {  	s1 =	spop (v2sf)  }
0x221: {  	p0 =	seq.s32 s1, $0x0  }
.Ltmp40:
0x222: {  	_ = 	snop;
	(pc) =	sbr.rel @p0 .LBB2_72-.Ltmp40, $1  }
0x223: {  	_ =	sdelay $0x3  }
0x224: {  	s2 =	sshrl.u32 s1, $0x0  }
0x225: {  	s2 =	sand.u32 $0x1, s2  }
0x226: {  	p1 =	slt.s32 s0, $0x20;
	p0 =	seq.s32 s2, $0x1  }
0x227: {  	p0 =	por !p1, !p0  }
0x228: {  	s2 =	simm.s32 $0x1;
	p0 =	por !p0, !p0  }
0x229: {  	s2 =	simm.s32 @!p0 $0x0  }
0x22a: {  	s3 =	sshrl.u32 s1, $0x1;
	s8 =	sadd.s32 s2, s0;
	s2 =	sadd.s32 @p0 s13, s0  }
0x22b: {  	s3 =	sand.u32 $0x1, s3;
	v3 =	vmov @p0 s2  }
0x22c: {  	p6 =	seq.s32 s3, $0x1;
	p1 =	por p0, p0;
	p2 =	slt.s32 s8, $0x20  }
0x22d: {  	s10 =	simm.s32 $0x1;
	s3 =	sadd.s32 @p1 $0x0, s30;
	p2 =	por !p2, !p6  }
0x22e: {  	s0 =	simm.s32 $0x2;
	s4 =	simm.s32 @p1 $0x2080;
	v4 =	vmov @p1 s3;
	p0 =	por !p2, !p2  }
.LBB2_70:
0x22f: {  	s2 =	sadd.s32 @p0 s13, s8;
	s3 =	smov.u32 s0;
	s0 =	sadd.s32 $0x1, s0  }
0x230: {  	[tilespmem:v3+s4+$0x0] =	vst.idx.msk @p1 $0x1, v4;
	v3 =	vmov @p0 s2;
	s2 =	simm.s32 $0x1;
	p2 =	sne.s32 s0, $0x20  }
.Ltmp41:
0x231: {  	s4 =	sshrl.u32 s1, s3;
	s2 =	simm.s32 @!p0 $0x0;
	(pc) =	sbr.rel @p2 .LBB2_70-.Ltmp41, $4  }
0x232: {  	s4 =	sand.u32 $0x1, s4;
	s8 =	sadd.s32 s2, s8  }
0x233: {  	p1 =	por p0, p0;
	p3 =	seq.s32 s4, $0x1;
	p4 =	slt.s32 s8, $0x20  }
0x234: {  	s2 =	sadd.s32 @p1 s10, s30;
	s10 =	smov.u32 s3;
	p0 =	por !p4, !p3  }
0x235: {  	s4 =	simm.s32 @p1 $0x2080;
	v4 =	vmov @p1 s2;
	p0 =	por !p0, !p0  }
0x236: {  	s0 =	sadd.s32 @p0 s13, s8  }
0x237: {  	v5 =	vmov @p0 s0  }
.Ltmp42:
0x238: {  	_ = 	snop;
	(pc) =	sbr.rel .LBB2_72-.Ltmp42, $4  }
0x239: {  	p2 =	por p0, p0  }
0x23a: {  	s0 =	simm.s32 $0x1;
	s1 =	sadd.s32 @p2 s10, s30  }
0x23b: {  	[tilespmem:v3+s4+$0x0] =	vst.idx.msk @p1 $0x1, v4;
	s0 =	simm.s32 @!p0 $0x0;
	v3 =	vmov @p2 s1;
	s1 =	simm.s32 @p2 $0x2080  }
0x23c: {  	s0 =	sadd.s32 s0, s8;
	[tilespmem:v5+s1+$0x0] =	vst.idx.msk @p2 $0x1, v3  }
.LBB2_75:
0x23d: {  	_ =	sfence.sel $0x180000  }
0x23e: {  	[bflag:$0x0] =	sbarrier.arrive $0xFFFF  }
0x23f: {  	_ =	strace $0x90000047  }
0x240: {  	s0 =	stileid.u32;
	[bflag:$0x2] =	sbarrier.arrive $0xFFFF  }
0x241: {  	p0 =	sne.s32 s0, $0x0;
	s0 =	rddreg [dreg:$0x2]  }
0x242: {  	s0 =	sadd.s32 @!p0 $0x100000, s0  }
0x243: {  	[sflag:s0] =	ssyncadd.tile.s32 @!p0 $0x1;
	_ =	shalt  }
.Lfunc_end2:
_tile_overlayer_lowered:
.L_overlay_start_2:
0x244: {  	(tag) =	ssettag $0x2  }
0x245: {  	s0 =	rddreg [dreg:$0x0];
	s2 =	stileid.u32  }
0x246: {  	s1 =	rddreg [dreg:$0x1];
	p0 =	sne.s32 s2, $0x0  }
0x247: {  	s3 =	rddreg [dreg:$0x2];
	[bflag:$0x3] =	sbarrier.arrive $0xFFFF;
	s2 =	simm.s32 @!p0 $0x1C02  }
0x248: {  	[timem:s3], [sflag:s2] =	dma.local @!p0 [hbm:s0], s1  }
0x249: {  	s0 =	simm.s32 @!p0 $0x2  }
0x24a: {  	_ =	swait.ge @!p0 [sflag:s0], s1  }
0x24b: {  	s1 =	ssub.s32 @!p0 $0x0, s1;
	[sflag:s0] =	ssyncset.done @!p0 $0x0  }
0x24c: {  	[sflag:s0] =	ssyncadd.s32 @!p0 s1  }
0x24d: {  	[bflag:$0x3] =	sbarrier.arrive $0xFFFF  }
0x24e: {  	_ =	shalt  }

</sc_bundles>
